<compile_context>
chip_gen: v7x
topology: tpu7x:2x2x1
jax: 0.10.2.dev20260603
libtpu: 0.0.44.dev20260713+nightly
codegen_flags: <defaults>
</compile_context>

<pallas_src>
import functools

import jax
import jax.numpy as jnp
from jax import lax
from jax.experimental import pallas as pl
from jax.experimental.pallas import tpu as pltpu
from jax.experimental.pallas import tpu_sc as plsc

_B, _N, _D, _L = 16, 2048, 512, 512
_NS = _N // 2
_K = min(int(2048 * 0.3), _NS)
_NNEW = _N - _K

def _metric_body(xfr_ref, me_ref, mo_ref):
    blk = xfr_ref[0]
    me_ref[0] = jnp.sum(blk[:, :_D], axis=1, keepdims=True)
    mo_ref[0] = jnp.sum(blk[:, _D:], axis=1, keepdims=True)


def _metric(xfr):
    return pl.pallas_call(
        _metric_body,
        grid=(_B,),
        in_specs=[pl.BlockSpec((1, _NS, 2 * _D), lambda b: (b, 0, 0))],
        out_specs=[pl.BlockSpec((1, _NS, 1), lambda b: (b, 0, 0)),
                   pl.BlockSpec((1, _NS, 1), lambda b: (b, 0, 0))],
        out_shape=[jax.ShapeDtypeStruct((_B, _NS, 1), jnp.float32),
                   jax.ShapeDtypeStruct((_B, _NS, 1), jnp.float32)],
    )(xfr)


def _plan_body(me_ref, mo_ref, ue_ref, uo_ref, pg_ref, mk_ref, cn_ref,
               sl_ref, dp_ref):
    b = pl.program_id(0)
    ns = _NS
    f32 = jnp.float32

    mean_e = me_ref[0] / f32(_D)
    mean_o = mo_ref[0] / f32(_D)
    norm2 = jnp.sum(mean_e * mean_e, keepdims=True) + \
        jnp.sum(mean_o * mean_o, keepdims=True)
    den = jnp.maximum(jnp.sqrt(norm2), f32(1e-12))
    a_col = mean_e / den
    b_col = mean_o / den

    iota_col = lax.broadcasted_iota(jnp.int32, (ns, 1), 0).astype(f32)
    iota_row = lax.broadcasted_iota(jnp.int32, (1, ns), 1).astype(f32)
    R = lax.broadcasted_iota(jnp.int32, (ns, ns), 0).astype(f32)
    C = lax.broadcasted_iota(jnp.int32, (ns, ns), 1).astype(f32)
    eye = (R == C).astype(f32)

    def to_row(v_col):
        return jnp.sum(eye * v_col, axis=0, keepdims=True)

    bmax = jnp.max(b_col, keepdims=True)
    bmin = jnp.min(b_col, keepdims=True)
    big = f32(ns + 1)
    jmax = jnp.min(jnp.where(b_col == bmax, iota_col, big), keepdims=True)
    jmin = jnp.min(jnp.where(b_col == bmin, iota_col, big), keepdims=True)

    zero = jnp.zeros((1, 1), f32)
    pos = a_col > 0
    neg = a_col < 0
    v_col = jnp.where(pos, a_col * bmax,
                      jnp.where(neg, a_col * bmin, zero))
    nidx_col = jnp.where(pos, jmax, jnp.where(neg, jmin, zero))

    v_row = to_row(v_col)
    gt = (v_row > v_col).astype(f32)
    eqlt = ((v_row == v_col) & (C < R)).astype(f32)
    rank_col = jnp.sum(gt + eqlt, axis=1, keepdims=True)
    sel = rank_col < f32(_K)
    sel_col = sel.astype(f32)

    sel_row = to_row(sel_col)
    tril = (C <= R).astype(f32)
    cum_incl = jnp.sum(tril * sel_row, axis=1, keepdims=True)
    cum_excl = cum_incl - sel_col

    def cum_at(t):
        return jnp.sum(jnp.where(iota_col == t, cum_incl, zero),
                       keepdims=True)

    cmax = cum_at(jmax)
    cmin = cum_at(jmin)
    c0 = cum_at(zero)
    cum_at_nidx = jnp.where(pos, cmax, jnp.where(neg, cmin, c0))

    i2_col = 2.0 * iota_col
    dst_col = 2.0 * nidx_col + 1.0
    ue = jnp.where(sel, dst_col - cum_at_nidx, i2_col - cum_excl)
    uo = i2_col + 1.0 - cum_incl
    ue_ref[0] = ue.astype(jnp.int32)
    uo_ref[0] = uo.astype(jnp.int32)

    rank_even = i2_col - cum_excl
    rank_odd = i2_col + 1.0 - cum_incl
    keep_col = 1.0 - sel_col
    C2 = lax.broadcasted_iota(jnp.int32, (ns, _NNEW), 1).astype(f32)
    e1t = (rank_even == C2).astype(f32) * keep_col
    e2t = (rank_odd == C2).astype(f32)
    p_row = jnp.sum(e1t * i2_col + e2t * (i2_col + 1.0),
                    axis=0, keepdims=True)
    pg_ref[0] = (p_row + f32(_N) * b.astype(f32)).astype(jnp.int32)

    t_list = [jmax, jmin, zero, zero]
    c_list = [cmax, cmin, c0, c0]
    masks = []
    cnts = []
    slots = []
    for t, ct in zip(t_list, c_list):
        m = sel_col * (nidx_col == t).astype(f32)
        masks.append(m)
        cnts.append(1.0 + jnp.sum(m, keepdims=True))
        slots.append(2.0 * t + 1.0 - ct)
    mk_ref[0] = jnp.concatenate(masks, axis=1)
    cn_ref[0] = jnp.concatenate([c.reshape(1, 1) for c in cnts], axis=0)
    sl_ref[0] = jnp.concatenate(slots, axis=1).astype(jnp.int32)
    bofs = f32(_N) * b.astype(f32)
    dp_ref[0] = jnp.concatenate(
        [2.0 * t + 1.0 + bofs for t in t_list], axis=1).astype(jnp.int32)


def _plan(me, mo):
    return pl.pallas_call(
        _plan_body,
        grid=(_B,),
        in_specs=[pl.BlockSpec((1, _NS, 1), lambda b: (b, 0, 0)),
                  pl.BlockSpec((1, _NS, 1), lambda b: (b, 0, 0))],
        out_specs=[pl.BlockSpec((1, _NS, 1), lambda b: (b, 0, 0)),
                   pl.BlockSpec((1, _NS, 1), lambda b: (b, 0, 0)),
                   pl.BlockSpec((1, 1, _NNEW), lambda b: (b, 0, 0)),
                   pl.BlockSpec((1, _NS, 4), lambda b: (b, 0, 0)),
                   pl.BlockSpec((1, 4, 1), lambda b: (b, 0, 0)),
                   pl.BlockSpec((1, 1, 4), lambda b: (b, 0, 0)),
                   pl.BlockSpec((1, 1, 4), lambda b: (b, 0, 0))],
        out_shape=[jax.ShapeDtypeStruct((_B, _NS, 1), jnp.int32),
                   jax.ShapeDtypeStruct((_B, _NS, 1), jnp.int32),
                   jax.ShapeDtypeStruct((_B, 1, _NNEW), jnp.int32),
                   jax.ShapeDtypeStruct((_B, _NS, 4), jnp.float32),
                   jax.ShapeDtypeStruct((_B, 4, 1), jnp.float32),
                   jax.ShapeDtypeStruct((_B, 1, 4), jnp.int32),
                   jax.ShapeDtypeStruct((_B, 1, 4), jnp.int32)],
    )(me, mo)


def _special_body(xe_ref, re_ref, mk_ref, cn_ref, sf_ref, sr_ref, iv_ref):
    mk = mk_ref[0]
    inv = 1.0 / (cn_ref[0] + jnp.float32(1e-6))

    def msum(x):
        return jnp.concatenate(
            [jnp.sum(x * mk[:, g:g + 1], axis=0, keepdims=True)
             for g in range(4)], axis=0)

    sf_ref[0] = msum(xe_ref[0]) * inv
    sr_ref[0] = msum(re_ref[0]) * inv
    iv_ref[0] = inv


def _special(xfr, xrr, masks, cnts):
    return pl.pallas_call(
        _special_body,
        grid=(_B,),
        in_specs=[pl.BlockSpec((1, _NS, _D), lambda b: (b, 0, 0)),
                  pl.BlockSpec((1, _NS, _L), lambda b: (b, 0, 0)),
                  pl.BlockSpec((1, _NS, 4), lambda b: (b, 0, 0)),
                  pl.BlockSpec((1, 4, 1), lambda b: (b, 0, 0))],
        out_specs=[pl.BlockSpec((1, 4, _D), lambda b: (b, 0, 0)),
                   pl.BlockSpec((1, 4, _L), lambda b: (b, 0, 0)),
                   pl.BlockSpec((1, 4, 1), lambda b: (b, 0, 0))],
        out_shape=[jax.ShapeDtypeStruct((_B, 4, _D), jnp.float32),
                   jax.ShapeDtypeStruct((_B, 4, _L), jnp.float32),
                   jax.ShapeDtypeStruct((_B, 4, 1), jnp.float32)],
    )(xfr, xrr, masks, cnts)


def _sc_gather(xf2d, xr2d, idx2d):
    mesh = plsc.VectorSubcoreMesh(core_axis_name="c", subcore_axis_name="s")

    @functools.partial(
        pl.kernel,
        mesh=mesh,
        out_type=(jax.ShapeDtypeStruct((_B, _NNEW, _D), jnp.float32),
                  jax.ShapeDtypeStruct((_B, _NNEW, _L), jnp.float32)),
        scratch_types=[pltpu.VMEM((32,), jnp.int32),
                       pltpu.VMEM((32, _D), jnp.float32),
                       pltpu.VMEM((32, _L), jnp.float32),
                       pltpu.SemaphoreType.DMA,
                       pltpu.SemaphoreType.DMA],
    )
    def gk(xf_hbm, xr_hbm, idx_hbm, of_hbm, or_hbm,
           idx_v, rf_v, rr_v, smf, smr):
        wid = lax.axis_index("s") * 2 + lax.axis_index("c")
        b = wid // 2
        half = wid - 2 * b

        @pl.loop(0, 23)
        def _(j):
            c = half + 2 * j

            @pl.when(c < 45)
            def _():
                base = c * 32
                pltpu.sync_copy(idx_hbm.at[pl.ds(b * 1440 + base, 32)],
                                idx_v)
                h1 = pltpu.async_copy(xf_hbm.at[idx_v], rf_v, smf)
                h2 = pltpu.async_copy(xr_hbm.at[idx_v], rr_v, smr)
                h1.wait()
                h2.wait()

                @pl.when(c < 44)
                def _():
                    pltpu.sync_copy(rf_v, of_hbm.at[b].at[pl.ds(base, 32)])
                    pltpu.sync_copy(rr_v, or_hbm.at[b].at[pl.ds(base, 32)])

                @pl.when(c == 44)
                def _():
                    @pl.loop(0, 26)
                    def _(r):
                        pltpu.sync_copy(rf_v.at[r], of_hbm.at[b, 1408 + r])
                        pltpu.sync_copy(rr_v.at[r], or_hbm.at[b, 1408 + r])

    return gk(xf2d, xr2d, idx2d.reshape(_B * 1440))


def _overwrite_body(sl_ref, dg_ref, gf_ref, gr_ref, xf_ref, xr_ref,
                    sdf_ref, sdr_ref, iv_ref, of_ref, or_ref,
                    xfs, xrs, ofs, ors, sma, smb, smc, smd):
    del gf_ref, gr_ref
    n = _B * 4

    def fire_in(g, _):
        d = dg_ref[g]
        pltpu.make_async_copy(xf_ref.at[d], xfs.at[g], sma).start()
        pltpu.make_async_copy(xr_ref.at[d], xrs.at[g], smb).start()
        return 0

    jax.lax.fori_loop(0, n, fire_in, 0)

    def drain_in(g, _):
        pltpu.make_async_copy(xf_ref.at[0], xfs.at[0], sma).wait()
        pltpu.make_async_copy(xr_ref.at[0], xrs.at[0], smb).wait()
        return 0

    jax.lax.fori_loop(0, n, drain_in, 0)

    ofs[...] = xfs[...] * iv_ref[...] + sdf_ref[...]
    ors[...] = xrs[...] * iv_ref[...] + sdr_ref[...]

    def fire_out(g, _):
        b = g // 4
        s = sl_ref[g]
        pltpu.make_async_copy(ofs.at[g], of_ref.at[b, s], smc).start()
        pltpu.make_async_copy(ors.at[g], or_ref.at[b, s], smd).start()
        return 0

    jax.lax.fori_loop(0, n, fire_out, 0)

    def drain_out(g, _):
        pltpu.make_async_copy(ofs.at[0], of_ref.at[0, 0], smc).wait()
        pltpu.make_async_copy(ors.at[0], or_ref.at[0, 0], smd).wait()
        return 0

    jax.lax.fori_loop(0, n, drain_out, 0)


def _overwrite(slots_flat, dstg_flat, gf, gr, xf2d, xr2d, sdf, sdr, inv):
    anyspace = pl.BlockSpec(memory_space=pltpu.MemorySpace.HBM)
    grid_spec = pltpu.PrefetchScalarGridSpec(
        num_scalar_prefetch=2,
        grid=(1,),
        in_specs=[anyspace, anyspace, anyspace, anyspace,
                  pl.BlockSpec((_B * 4, _D), lambda g, sl, dg: (0, 0)),
                  pl.BlockSpec((_B * 4, _L), lambda g, sl, dg: (0, 0)),
                  pl.BlockSpec((_B * 4, 1), lambda g, sl, dg: (0, 0))],
        out_specs=[anyspace, anyspace],
        scratch_shapes=[pltpu.VMEM((_B * 4, _D), jnp.float32),
                        pltpu.VMEM((_B * 4, _L), jnp.float32),
                        pltpu.VMEM((_B * 4, _D), jnp.float32),
                        pltpu.VMEM((_B * 4, _L), jnp.float32),
                        pltpu.SemaphoreType.DMA, pltpu.SemaphoreType.DMA,
                        pltpu.SemaphoreType.DMA, pltpu.SemaphoreType.DMA],
    )
    return pl.pallas_call(
        _overwrite_body,
        grid_spec=grid_spec,
        out_shape=[jax.ShapeDtypeStruct((_B, _NNEW, _D), jnp.float32),
                   jax.ShapeDtypeStruct((_B, _NNEW, _L), jnp.float32)],
        input_output_aliases={2: 0, 3: 1},
    )(slots_flat, dstg_flat, gf, gr, xf2d, xr2d, sdf, sdr, inv)


@jax.jit
def kernel(x_feat, x_raw):
    xfr = x_feat.reshape(_B, _NS, 2 * _D)
    xrr = x_raw.reshape(_B, _NS, 2 * _L)

    me, mo = _metric(xfr)
    ue, uo, pglob, masks, cnts, slots, dstg = _plan(me, mo)
    unpool = jnp.concatenate([ue, uo], axis=2).reshape(_B, _N)

    sdf, sdr, inv = _special(xfr, xrr, masks, cnts)

    idx2d = jnp.pad(pglob.reshape(_B, _NNEW), ((0, 0), (0, 1440 - _NNEW)))
    gf, gr = _sc_gather(x_feat.reshape(_B * _N, _D),
                        x_raw.reshape(_B * _N, _L),
                        idx2d)

    of, orr = _overwrite(slots.reshape(_B * 4), dstg.reshape(_B * 4),
                         gf, gr,
                         x_feat.reshape(_B * _N, _D),
                         x_raw.reshape(_B * _N, _L),
                         sdf.reshape(_B * 4, _D), sdr.reshape(_B * 4, _L),
                         inv.reshape(_B * 4, 1))

    return (of, orr, unpool)

# --- scband reference (transcript-rebuilt; emitter-appended) ---
"""Pipeline reference for scband-spatial-to-me-30434138260169 (READ-ONLY COPY).

The authoritative reference and input builder live on the scoring server;
editing this copy changes nothing except your own understanding.
"""

import jax, jax.numpy as jnp
import numpy as np

B, N, D, L = 16, 2048, 512, 512
NUM_NODES = 2048
REDUCE_RATIO = 0.3


def setup_inputs(seed: int = 0) -> dict:
    key = jax.random.key(seed)
    k1, k2 = jax.random.split(key)
    x_feat = jax.random.normal(k1, (B, N, D), dtype=jnp.float32)
    x_raw = jax.random.normal(k2, (B, N, L), dtype=jnp.float32)
    return {"x_feat": x_feat, "x_raw": x_raw}


def reference(x_feat, x_raw):
    r = int(NUM_NODES * REDUCE_RATIO)
    Bb, Nn, Dd = x_feat.shape
    Ll = x_raw.shape[2]
    # metric = mean over feature dim, then L2-normalize over node dim (F.normalize p=2 dim=1)
    metric = x_feat.mean(axis=-1, keepdims=True)  # [B, N, 1]
    norm = jnp.sqrt(jnp.sum(metric * metric, axis=1, keepdims=True))
    metric = metric / jnp.maximum(norm, 1e-12)
    protected = 1 if Nn % 2 != 0 else 0
    n_src = (Nn - protected) // 2
    a = metric[:, 0:2 * n_src:2, :]  # [B, n_src, 1]
    b = metric[:, 1:2 * n_src:2, :]  # [B, n_src, 1]
    scores = jnp.matmul(a, jnp.swapaxes(b, -1, -2))  # [B, n_src, n_src]
    node_max = scores.max(axis=-1)
    node_idx = jnp.argmax(scores, axis=-1)
    k = min(r, n_src)
    _, top_k_indices = jax.lax.top_k(node_max, k)  # [B, k]
    group_ids = jnp.broadcast_to(jnp.arange(Nn, dtype=jnp.int32), (Bb, Nn))
    bidx = jnp.arange(Bb)[:, None]
    src_indices = top_k_indices * 2
    dst_indices = jnp.take_along_axis(node_idx, top_k_indices, axis=1) * 2 + 1
    gathered = jnp.take_along_axis(group_ids, dst_indices, axis=1).astype(jnp.int32)
    group_ids = group_ids.at[bidx, src_indices].set(gathered)
    # inverse of unique (per batch): sort, run-length compact ids, scatter back
    sort_perm = jnp.argsort(group_ids, axis=1)
    sorted_ids = jnp.take_along_axis(group_ids, sort_perm, axis=1)
    diff = jnp.concatenate([jnp.ones((Bb, 1), dtype=bool), sorted_ids[:, 1:] != sorted_ids[:, :-1]], axis=1)
    compact = jnp.cumsum(diff.astype(jnp.int32), axis=1) - 1
    unpool_idx = jnp.zeros((Bb, Nn), dtype=jnp.int32).at[bidx, sort_perm].set(compact)
    N_new = Nn - k  # deterministically N - k
    ones = jnp.ones((Bb, Nn, 1), dtype=jnp.float32)
    x_raw_small = jnp.zeros((Bb, N_new, Ll), dtype=jnp.float32).at[bidx, unpool_idx].add(x_raw)
    x_feat_small = jnp.zeros((Bb, N_new, Dd), dtype=jnp.float32).at[bidx, unpool_idx].add(x_feat)
    counts = jnp.zeros((Bb, N_new, 1), dtype=jnp.float32).at[bidx, unpool_idx].add(ones)
    x_raw_small = x_raw_small / (counts + 1e-06)
    x_feat_small = x_feat_small / (counts + 1e-06)
    return (x_feat_small, x_raw_small, unpool_idx)

if __name__ == "__main__":
    import jax
    _d = setup_inputs()
    print(jax.jit(kernel)(*tuple(_d.values())))

</pallas_src>

<mosaic_0001>
#map = affine_map<(d0, d1) -> (0, 0)>
#map1 = affine_map<(d0, d1) -> (0)>
#map2 = affine_map<(d0, d1) -> (0, 0, 0)>
module attributes {stable_mosaic.version = 14 : i64} {
  func.func @gk(%arg0: i32, %arg1: i32, %arg2: memref<32768x512xf32, #tpu.memory_space<hbm>>, %arg3: memref<32768x512xf32, #tpu.memory_space<hbm>>, %arg4: memref<23040xi32, #tpu.memory_space<hbm>>, %arg5: memref<16x1434x512xf32, #tpu.memory_space<hbm>>, %arg6: memref<16x1434x512xf32, #tpu.memory_space<hbm>>, %arg7: memref<32xi32, #tpu.memory_space<vmem>>, %arg8: memref<32x512xf32, #tpu.memory_space<vmem>>, %arg9: memref<32x512xf32, #tpu.memory_space<vmem>>, %arg10: memref<!tpu.dma_semaphore, #tpu.memory_space<semaphore_mem>>, %arg11: memref<!tpu.dma_semaphore, #tpu.memory_space<semaphore_mem>>) attributes {dimension_semantics = [#tpu.dimension_semantics<core_parallel>, #tpu.dimension_semantics<subcore_parallel>], iteration_bounds = array<i64: 2, 16>, scalar_prefetch = 0 : i64, scratch_operands = 5 : i64, tpu.core_type = #tpu.core_type<sc_vector_subcore>, window_params = [{transform_indices = #map}, {transform_indices = #map}, {transform_indices = #map1}, {transform_indices = #map2}, {transform_indices = #map2}]} {
    %mul3A = arith.constant 2 : i32
    %mul3A_0 = arith.muli %arg1, %mul3A : i32
    %add3A = arith.addi %mul3A_0, %arg0 : i32
    %jit3A = arith.constant 2 : i32
    %div3A = arith.divsi %add3A, %jit3A : i32
    %sign3A = arith.constant 0 : i32
    %sign3A_1 = arith.cmpi sgt, %add3A, %sign3A : i32
    %sign3A_2 = arith.extui %sign3A_1 : i1 to i32
    %sign3A_3 = arith.constant 0 : i32
    %sign3A_4 = arith.cmpi slt, %add3A, %sign3A_3 : i32
    %sign3A_5 = arith.extui %sign3A_4 : i1 to i32
    %sign3A_6 = arith.subi %sign3A_2, %sign3A_5 : i32
    %sign3A_7 = arith.constant 0 : i32
    %sign3A_8 = arith.cmpi sgt, %jit3A, %sign3A_7 : i32
    %sign3A_9 = arith.extui %sign3A_8 : i1 to i32
    %sign3A_10 = arith.constant 0 : i32
    %sign3A_11 = arith.cmpi slt, %jit3A, %sign3A_10 : i32
    %sign3A_12 = arith.extui %sign3A_11 : i1 to i32
    %sign3A_13 = arith.subi %sign3A_9, %sign3A_12 : i32
    %ne3A = arith.cmpi ne, %sign3A_6, %sign3A_13 : i32
    %rem3A = arith.remsi %add3A, %jit3A : i32
    %ne3A_14 = arith.constant 0 : i32
    %ne3A_15 = arith.cmpi ne, %rem3A, %ne3A_14 : i32
    %and3A = arith.andi %ne3A, %ne3A_15 : i1
    %sub3A = arith.constant 1 : i32
    %sub3A_16 = arith.subi %div3A, %sub3A : i32
    %select_n3A = arith.select %and3A, %sub3A_16, %div3A : i32
    %mul3A_17 = arith.constant 2 : i32
    %mul3A_18 = arith.muli %mul3A_17, %select_n3A : i32
    %sub3A_19 = arith.subi %add3A, %mul3A_18 : i32
    %scan3A = arith.constant 0 : i32
    %scan3A_20 = arith.constant 23 : i32
    %scan3A_21 = arith.addi %scan3A, %scan3A_20 : i32
    %scan3A_22 = arith.constant 1 : i32
    scf.for %scan3A_24 = %scan3A to %scan3A_21 step %scan3A_22  : i32 {
      %mul3A_25 = arith.constant 1 : i32
      %mul3A_26 = arith.muli %scan3A_24, %mul3A_25 : i32
      %add3A_27 = arith.constant 0 : i32
      %add3A_28 = arith.addi %add3A_27, %mul3A_26 : i32
      %mul3A_29 = arith.constant 2 : i32
      %mul3A_30 = arith.muli %mul3A_29, %add3A_28 : i32
      %add3A_31 = arith.addi %sub3A_19, %mul3A_30 : i32
      %lt3A = arith.constant 45 : i32
      %lt3A_32 = arith.cmpi slt, %add3A_31, %lt3A : i32
      %convert_element_type3A = arith.extui %lt3A_32 : i1 to i32
      %cond3A = arith.constant 0 : i32
      %cond3A_33 = arith.cmpi ne, %convert_element_type3A, %cond3A : i32
      scf.if %cond3A_33 {
        %mul3A_34 = arith.constant 32 : i32
        %mul3A_35 = arith.muli %add3A_31, %mul3A_34 : i32
        %mul3A_36 = arith.constant 1440 : i32
        %mul3A_37 = arith.muli %select_n3A, %mul3A_36 : i32
        %add3A_38 = arith.addi %mul3A_37, %mul3A_35 : i32
        "tpu.region"() ({
          %run_scoped3A = tpu.sem_alloc : memref<!tpu.dma_semaphore, #tpu.memory_space<semaphore_mem>>
          %dma_start3A_58 = tpu.memref_slice %arg4[%add3A_38] : memref<23040xi32, #tpu.memory_space<hbm>> -> memref<32xi32, #tpu.memory_space<hbm>>
          %dma_start3A_59 = tpu.memref_slice %arg4[%add3A_38] : memref<23040xi32, #tpu.memory_space<hbm>> -> memref<32xi32, #tpu.memory_space<hbm>>
          tpu.enqueue_dma source(%dma_start3A_59 : memref<32xi32, #tpu.memory_space<hbm>>) target(%arg7 : memref<32xi32, #tpu.memory_space<vmem>>) target_semaphore(%run_scoped3A : memref<!tpu.dma_semaphore, #tpu.memory_space<semaphore_mem>>)
          %dma_wait3A_60 = tpu.memref_slice %arg4[%add3A_38] : memref<23040xi32, #tpu.memory_space<hbm>> -> memref<32xi32, #tpu.memory_space<hbm>>
          %dma_wait3A_61 = tpu.memref_slice %arg4[%add3A_38] : memref<23040xi32, #tpu.memory_space<hbm>> -> memref<32xi32, #tpu.memory_space<hbm>>
          tpu.wait_dma2 semaphore(%run_scoped3A : memref<!tpu.dma_semaphore, #tpu.memory_space<semaphore_mem>>) src(%dma_wait3A_61 : memref<32xi32, #tpu.memory_space<hbm>>) dst(%arg7 : memref<32xi32, #tpu.memory_space<vmem>>)
          tpu.yield
        }) : () -> ()
        %dma_start3A = arith.constant 0 : i32
        %dma_start3A_39 = arith.constant 0 : i32
        %dma_start3A_40 = tpu.memref_slice %arg2[%dma_start3A, %dma_start3A_39] : memref<32768x512xf32, #tpu.memory_space<hbm>> -> memref<32768x512xf32, #tpu.memory_space<hbm>>
        tpu.enqueue_indirect_dma source(%dma_start3A_40 : memref<32768x512xf32, #tpu.memory_space<hbm>>) target(%arg8 : memref<32x512xf32, #tpu.memory_space<vmem>>) offsets(%arg7 : memref<32xi32, #tpu.memory_space<vmem>>) semaphore(%arg10 : memref<!tpu.dma_semaphore, #tpu.memory_space<semaphore_mem>>)
        %dma_start3A_41 = arith.constant 0 : i32
        %dma_start3A_42 = arith.constant 0 : i32
        %dma_start3A_43 = tpu.memref_slice %arg3[%dma_start3A_41, %dma_start3A_42] : memref<32768x512xf32, #tpu.memory_space<hbm>> -> memref<32768x512xf32, #tpu.memory_space<hbm>>
        tpu.enqueue_indirect_dma source(%dma_start3A_43 : memref<32768x512xf32, #tpu.memory_space<hbm>>) target(%arg9 : memref<32x512xf32, #tpu.memory_space<vmem>>) offsets(%arg7 : memref<32xi32, #tpu.memory_space<vmem>>) semaphore(%arg11 : memref<!tpu.dma_semaphore, #tpu.memory_space<semaphore_mem>>)
        %dma_wait3A = arith.constant 0 : i32
        %dma_wait3A_44 = arith.constant 0 : i32
        %dma_wait3A_45 = tpu.memref_slice %arg2[%dma_wait3A, %dma_wait3A_44] : memref<32768x512xf32, #tpu.memory_space<hbm>> -> memref<32768x512xf32, #tpu.memory_space<hbm>>
        tpu.wait_indirect_dma semaphore(%arg10 : memref<!tpu.dma_semaphore, #tpu.memory_space<semaphore_mem>>) src(%dma_wait3A_45 : memref<32768x512xf32, #tpu.memory_space<hbm>>) dst(%arg8 : memref<32x512xf32, #tpu.memory_space<vmem>>)
        %dma_wait3A_46 = arith.constant 0 : i32
        %dma_wait3A_47 = arith.constant 0 : i32
        %dma_wait3A_48 = tpu.memref_slice %arg3[%dma_wait3A_46, %dma_wait3A_47] : memref<32768x512xf32, #tpu.memory_space<hbm>> -> memref<32768x512xf32, #tpu.memory_space<hbm>>
        tpu.wait_indirect_dma semaphore(%arg11 : memref<!tpu.dma_semaphore, #tpu.memory_space<semaphore_mem>>) src(%dma_wait3A_48 : memref<32768x512xf32, #tpu.memory_space<hbm>>) dst(%arg9 : memref<32x512xf32, #tpu.memory_space<vmem>>)
        %lt3A_49 = arith.constant 44 : i32
        %lt3A_50 = arith.cmpi slt, %add3A_31, %lt3A_49 : i32
        %convert_element_type3A_51 = arith.extui %lt3A_50 : i1 to i32
        %cond3A_52 = arith.constant 0 : i32
        %cond3A_53 = arith.cmpi ne, %convert_element_type3A_51, %cond3A_52 : i32
        scf.if %cond3A_53 {
          "tpu.region"() ({
            %run_scoped3A = tpu.sem_alloc : memref<!tpu.dma_semaphore, #tpu.memory_space<semaphore_mem>>
            %dma_start3A_58 = arith.constant 0 : i32
            %dma_start3A_59 = arith.constant 0 : i32
            %dma_start3A_60 = tpu.memref_slice %arg5[%select_n3A, %dma_start3A_58, %dma_start3A_59] : memref<16x1434x512xf32, #tpu.memory_space<hbm>> -> memref<1x1434x512xf32, #tpu.memory_space<hbm>>
            %dma_start3A_61 = tpu.memref_squeeze %dma_start3A_60 : memref<1x1434x512xf32, #tpu.memory_space<hbm>> -> memref<1434x512xf32, #tpu.memory_space<hbm>>
            %dma_start3A_62 = arith.constant 0 : i32
            %dma_start3A_63 = tpu.memref_slice %dma_start3A_61[%mul3A_35, %dma_start3A_62] : memref<1434x512xf32, #tpu.memory_space<hbm>> -> memref<32x512xf32, #tpu.memory_space<hbm>>
            %dma_start3A_64 = arith.constant 0 : i32
            %dma_start3A_65 = arith.constant 0 : i32
            %dma_start3A_66 = tpu.memref_slice %arg5[%select_n3A, %dma_start3A_64, %dma_start3A_65] : memref<16x1434x512xf32, #tpu.memory_space<hbm>> -> memref<1x1434x512xf32, #tpu.memory_space<hbm>>
            %dma_start3A_67 = tpu.memref_squeeze %dma_start3A_66 : memref<1x1434x512xf32, #tpu.memory_space<hbm>> -> memref<1434x512xf32, #tpu.memory_space<hbm>>
            %dma_start3A_68 = arith.constant 0 : i32
            %dma_start3A_69 = tpu.memref_slice %dma_start3A_67[%mul3A_35, %dma_start3A_68] : memref<1434x512xf32, #tpu.memory_space<hbm>> -> memref<32x512xf32, #tpu.memory_space<hbm>>
            tpu.enqueue_dma source(%arg8 : memref<32x512xf32, #tpu.memory_space<vmem>>) target(%dma_start3A_69 : memref<32x512xf32, #tpu.memory_space<hbm>>) target_semaphore(%run_scoped3A : memref<!tpu.dma_semaphore, #tpu.memory_space<semaphore_mem>>)
            %dma_wait3A_70 = arith.constant 0 : i32
            %dma_wait3A_71 = arith.constant 0 : i32
            %dma_wait3A_72 = tpu.memref_slice %arg5[%select_n3A, %dma_wait3A_70, %dma_wait3A_71] : memref<16x1434x512xf32, #tpu.memory_space<hbm>> -> memref<1x1434x512xf32, #tpu.memory_space<hbm>>
            %dma_wait3A_73 = tpu.memref_squeeze %dma_wait3A_72 : memref<1x1434x512xf32, #tpu.memory_space<hbm>> -> memref<1434x512xf32, #tpu.memory_space<hbm>>
            %dma_wait3A_74 = arith.constant 0 : i32
            %dma_wait3A_75 = tpu.memref_slice %dma_wait3A_73[%mul3A_35, %dma_wait3A_74] : memref<1434x512xf32, #tpu.memory_space<hbm>> -> memref<32x512xf32, #tpu.memory_space<hbm>>
            %dma_wait3A_76 = arith.constant 0 : i32
            %dma_wait3A_77 = arith.constant 0 : i32
            %dma_wait3A_78 = tpu.memref_slice %arg5[%select_n3A, %dma_wait3A_76, %dma_wait3A_77] : memref<16x1434x512xf32, #tpu.memory_space<hbm>> -> memref<1x1434x512xf32, #tpu.memory_space<hbm>>
            %dma_wait3A_79 = tpu.memref_squeeze %dma_wait3A_78 : memref<1x1434x512xf32, #tpu.memory_space<hbm>> -> memref<1434x512xf32, #tpu.memory_space<hbm>>
            %dma_wait3A_80 = arith.constant 0 : i32
            %dma_wait3A_81 = tpu.memref_slice %dma_wait3A_79[%mul3A_35, %dma_wait3A_80] : memref<1434x512xf32, #tpu.memory_space<hbm>> -> memref<32x512xf32, #tpu.memory_space<hbm>>
            tpu.wait_dma2 semaphore(%run_scoped3A : memref<!tpu.dma_semaphore, #tpu.memory_space<semaphore_mem>>) src(%arg8 : memref<32x512xf32, #tpu.memory_space<vmem>>) dst(%dma_wait3A_81 : memref<32x512xf32, #tpu.memory_space<hbm>>)
            tpu.yield
          }) : () -> ()
          "tpu.region"() ({
            %run_scoped3A = tpu.sem_alloc : memref<!tpu.dma_semaphore, #tpu.memory_space<semaphore_mem>>
            %dma_start3A_58 = arith.constant 0 : i32
            %dma_start3A_59 = arith.constant 0 : i32
            %dma_start3A_60 = tpu.memref_slice %arg6[%select_n3A, %dma_start3A_58, %dma_start3A_59] : memref<16x1434x512xf32, #tpu.memory_space<hbm>> -> memref<1x1434x512xf32, #tpu.memory_space<hbm>>
            %dma_start3A_61 = tpu.memref_squeeze %dma_start3A_60 : memref<1x1434x512xf32, #tpu.memory_space<hbm>> -> memref<1434x512xf32, #tpu.memory_space<hbm>>
            %dma_start3A_62 = arith.constant 0 : i32
            %dma_start3A_63 = tpu.memref_slice %dma_start3A_61[%mul3A_35, %dma_start3A_62] : memref<1434x512xf32, #tpu.memory_space<hbm>> -> memref<32x512xf32, #tpu.memory_space<hbm>>
            %dma_start3A_64 = arith.constant 0 : i32
            %dma_start3A_65 = arith.constant 0 : i32
            %dma_start3A_66 = tpu.memref_slice %arg6[%select_n3A, %dma_start3A_64, %dma_start3A_65] : memref<16x1434x512xf32, #tpu.memory_space<hbm>> -> memref<1x1434x512xf32, #tpu.memory_space<hbm>>
            %dma_start3A_67 = tpu.memref_squeeze %dma_start3A_66 : memref<1x1434x512xf32, #tpu.memory_space<hbm>> -> memref<1434x512xf32, #tpu.memory_space<hbm>>
            %dma_start3A_68 = arith.constant 0 : i32
            %dma_start3A_69 = tpu.memref_slice %dma_start3A_67[%mul3A_35, %dma_start3A_68] : memref<1434x512xf32, #tpu.memory_space<hbm>> -> memref<32x512xf32, #tpu.memory_space<hbm>>
            tpu.enqueue_dma source(%arg9 : memref<32x512xf32, #tpu.memory_space<vmem>>) target(%dma_start3A_69 : memref<32x512xf32, #tpu.memory_space<hbm>>) target_semaphore(%run_scoped3A : memref<!tpu.dma_semaphore, #tpu.memory_space<semaphore_mem>>)
            %dma_wait3A_70 = arith.constant 0 : i32
            %dma_wait3A_71 = arith.constant 0 : i32
            %dma_wait3A_72 = tpu.memref_slice %arg6[%select_n3A, %dma_wait3A_70, %dma_wait3A_71] : memref<16x1434x512xf32, #tpu.memory_space<hbm>> -> memref<1x1434x512xf32, #tpu.memory_space<hbm>>
            %dma_wait3A_73 = tpu.memref_squeeze %dma_wait3A_72 : memref<1x1434x512xf32, #tpu.memory_space<hbm>> -> memref<1434x512xf32, #tpu.memory_space<hbm>>
            %dma_wait3A_74 = arith.constant 0 : i32
            %dma_wait3A_75 = tpu.memref_slice %dma_wait3A_73[%mul3A_35, %dma_wait3A_74] : memref<1434x512xf32, #tpu.memory_space<hbm>> -> memref<32x512xf32, #tpu.memory_space<hbm>>
            %dma_wait3A_76 = arith.constant 0 : i32
            %dma_wait3A_77 = arith.constant 0 : i32
            %dma_wait3A_78 = tpu.memref_slice %arg6[%select_n3A, %dma_wait3A_76, %dma_wait3A_77] : memref<16x1434x512xf32, #tpu.memory_space<hbm>> -> memref<1x1434x512xf32, #tpu.memory_space<hbm>>
            %dma_wait3A_79 = tpu.memref_squeeze %dma_wait3A_78 : memref<1x1434x512xf32, #tpu.memory_space<hbm>> -> memref<1434x512xf32, #tpu.memory_space<hbm>>
            %dma_wait3A_80 = arith.constant 0 : i32
            %dma_wait3A_81 = tpu.memref_slice %dma_wait3A_79[%mul3A_35, %dma_wait3A_80] : memref<1434x512xf32, #tpu.memory_space<hbm>> -> memref<32x512xf32, #tpu.memory_space<hbm>>
            tpu.wait_dma2 semaphore(%run_scoped3A : memref<!tpu.dma_semaphore, #tpu.memory_space<semaphore_mem>>) src(%arg9 : memref<32x512xf32, #tpu.memory_space<vmem>>) dst(%dma_wait3A_81 : memref<32x512xf32, #tpu.memory_space<hbm>>)
            tpu.yield
          }) : () -> ()
        } else {
        }
        %eq3A = arith.constant 44 : i32
        %eq3A_54 = arith.cmpi eq, %add3A_31, %eq3A : i32
        %convert_element_type3A_55 = arith.extui %eq3A_54 : i1 to i32
        %cond3A_56 = arith.constant 0 : i32
        %cond3A_57 = arith.cmpi ne, %convert_element_type3A_55, %cond3A_56 : i32
        scf.if %cond3A_57 {
          %scan3A_58 = arith.constant 0 : i32
          %scan3A_59 = arith.constant 26 : i32
          %scan3A_60 = arith.addi %scan3A_58, %scan3A_59 : i32
          %scan3A_61 = arith.constant 1 : i32
          scf.for %scan3A_63 = %scan3A_58 to %scan3A_60 step %scan3A_61  : i32 {
            %mul3A_64 = arith.constant 1 : i32
            %mul3A_65 = arith.muli %scan3A_63, %mul3A_64 : i32
            %add3A_66 = arith.constant 0 : i32
            %add3A_67 = arith.addi %add3A_66, %mul3A_65 : i32
            %add3A_68 = arith.constant 1408 : i32
            %add3A_69 = arith.addi %add3A_68, %add3A_67 : i32
            "tpu.region"() ({
              %run_scoped3A = tpu.sem_alloc : memref<!tpu.dma_semaphore, #tpu.memory_space<semaphore_mem>>
              %dma_start3A_72 = arith.constant 0 : i32
              %dma_start3A_73 = tpu.memref_slice %arg8[%add3A_67, %dma_start3A_72] : memref<32x512xf32, #tpu.memory_space<vmem>> -> memref<1x512xf32, #tpu.memory_space<vmem>>
              %dma_start3A_74 = tpu.memref_squeeze %dma_start3A_73 : memref<1x512xf32, #tpu.memory_space<vmem>> -> memref<512xf32, #tpu.memory_space<vmem>>
              %dma_start3A_75 = arith.constant 0 : i32
              %dma_start3A_76 = tpu.memref_slice %arg5[%select_n3A, %add3A_69, %dma_start3A_75] : memref<16x1434x512xf32, #tpu.memory_space<hbm>> -> memref<1x1x512xf32, #tpu.memory_space<hbm>>
              %dma_start3A_77 = tpu.memref_squeeze %dma_start3A_76 : memref<1x1x512xf32, #tpu.memory_space<hbm>> -> memref<512xf32, #tpu.memory_space<hbm>>
              %dma_start3A_78 = arith.constant 0 : i32
              %dma_start3A_79 = tpu.memref_slice %arg5[%select_n3A, %add3A_69, %dma_start3A_78] : memref<16x1434x512xf32, #tpu.memory_space<hbm>> -> memref<1x1x512xf32, #tpu.memory_space<hbm>>
              %dma_start3A_80 = tpu.memref_squeeze %dma_start3A_79 : memref<1x1x512xf32, #tpu.memory_space<hbm>> -> memref<512xf32, #tpu.memory_space<hbm>>
              %dma_start3A_81 = arith.constant 0 : i32
              %dma_start3A_82 = tpu.memref_slice %arg8[%add3A_67, %dma_start3A_81] : memref<32x512xf32, #tpu.memory_space<vmem>> -> memref<1x512xf32, #tpu.memory_space<vmem>>
              %dma_start3A_83 = tpu.memref_squeeze %dma_start3A_82 : memref<1x512xf32, #tpu.memory_space<vmem>> -> memref<512xf32, #tpu.memory_space<vmem>>
              tpu.enqueue_dma source(%dma_start3A_83 : memref<512xf32, #tpu.memory_space<vmem>>) target(%dma_start3A_80 : memref<512xf32, #tpu.memory_space<hbm>>) target_semaphore(%run_scoped3A : memref<!tpu.dma_semaphore, #tpu.memory_space<semaphore_mem>>)
              %dma_wait3A_84 = arith.constant 0 : i32
              %dma_wait3A_85 = tpu.memref_slice %arg8[%add3A_67, %dma_wait3A_84] : memref<32x512xf32, #tpu.memory_space<vmem>> -> memref<1x512xf32, #tpu.memory_space<vmem>>
              %dma_wait3A_86 = tpu.memref_squeeze %dma_wait3A_85 : memref<1x512xf32, #tpu.memory_space<vmem>> -> memref<512xf32, #tpu.memory_space<vmem>>
              %dma_wait3A_87 = arith.constant 0 : i32
              %dma_wait3A_88 = tpu.memref_slice %arg5[%select_n3A, %add3A_69, %dma_wait3A_87] : memref<16x1434x512xf32, #tpu.memory_space<hbm>> -> memref<1x1x512xf32, #tpu.memory_space<hbm>>
              %dma_wait3A_89 = tpu.memref_squeeze %dma_wait3A_88 : memref<1x1x512xf32, #tpu.memory_space<hbm>> -> memref<512xf32, #tpu.memory_space<hbm>>
              %dma_wait3A_90 = arith.constant 0 : i32
              %dma_wait3A_91 = tpu.memref_slice %arg5[%select_n3A, %add3A_69, %dma_wait3A_90] : memref<16x1434x512xf32, #tpu.memory_space<hbm>> -> memref<1x1x512xf32, #tpu.memory_space<hbm>>
              %dma_wait3A_92 = tpu.memref_squeeze %dma_wait3A_91 : memref<1x1x512xf32, #tpu.memory_space<hbm>> -> memref<512xf32, #tpu.memory_space<hbm>>
              %dma_wait3A_93 = arith.constant 0 : i32
              %dma_wait3A_94 = tpu.memref_slice %arg8[%add3A_67, %dma_wait3A_93] : memref<32x512xf32, #tpu.memory_space<vmem>> -> memref<1x512xf32, #tpu.memory_space<vmem>>
              %dma_wait3A_95 = tpu.memref_squeeze %dma_wait3A_94 : memref<1x512xf32, #tpu.memory_space<vmem>> -> memref<512xf32, #tpu.memory_space<vmem>>
              tpu.wait_dma2 semaphore(%run_scoped3A : memref<!tpu.dma_semaphore, #tpu.memory_space<semaphore_mem>>) src(%dma_wait3A_95 : memref<512xf32, #tpu.memory_space<vmem>>) dst(%dma_wait3A_92 : memref<512xf32, #tpu.memory_space<hbm>>)
              tpu.yield
            }) : () -> ()
            %add3A_70 = arith.constant 1408 : i32
            %add3A_71 = arith.addi %add3A_70, %add3A_67 : i32
            "tpu.region"() ({
              %run_scoped3A = tpu.sem_alloc : memref<!tpu.dma_semaphore, #tpu.memory_space<semaphore_mem>>
              %dma_start3A_72 = arith.constant 0 : i32
              %dma_start3A_73 = tpu.memref_slice %arg9[%add3A_67, %dma_start3A_72] : memref<32x512xf32, #tpu.memory_space<vmem>> -> memref<1x512xf32, #tpu.memory_space<vmem>>
              %dma_start3A_74 = tpu.memref_squeeze %dma_start3A_73 : memref<1x512xf32, #tpu.memory_space<vmem>> -> memref<512xf32, #tpu.memory_space<vmem>>
              %dma_start3A_75 = arith.constant 0 : i32
              %dma_start3A_76 = tpu.memref_slice %arg6[%select_n3A, %add3A_71, %dma_start3A_75] : memref<16x1434x512xf32, #tpu.memory_space<hbm>> -> memref<1x1x512xf32, #tpu.memory_space<hbm>>
              %dma_start3A_77 = tpu.memref_squeeze %dma_start3A_76 : memref<1x1x512xf32, #tpu.memory_space<hbm>> -> memref<512xf32, #tpu.memory_space<hbm>>
              %dma_start3A_78 = arith.constant 0 : i32
              %dma_start3A_79 = tpu.memref_slice %arg6[%select_n3A, %add3A_71, %dma_start3A_78] : memref<16x1434x512xf32, #tpu.memory_space<hbm>> -> memref<1x1x512xf32, #tpu.memory_space<hbm>>
              %dma_start3A_80 = tpu.memref_squeeze %dma_start3A_79 : memref<1x1x512xf32, #tpu.memory_space<hbm>> -> memref<512xf32, #tpu.memory_space<hbm>>
              %dma_start3A_81 = arith.constant 0 : i32
              %dma_start3A_82 = tpu.memref_slice %arg9[%add3A_67, %dma_start3A_81] : memref<32x512xf32, #tpu.memory_space<vmem>> -> memref<1x512xf32, #tpu.memory_space<vmem>>
              %dma_start3A_83 = tpu.memref_squeeze %dma_start3A_82 : memref<1x512xf32, #tpu.memory_space<vmem>> -> memref<512xf32, #tpu.memory_space<vmem>>
              tpu.enqueue_dma source(%dma_start3A_83 : memref<512xf32, #tpu.memory_space<vmem>>) target(%dma_start3A_80 : memref<512xf32, #tpu.memory_space<hbm>>) target_semaphore(%run_scoped3A : memref<!tpu.dma_semaphore, #tpu.memory_space<semaphore_mem>>)
              %dma_wait3A_84 = arith.constant 0 : i32
              %dma_wait3A_85 = tpu.memref_slice %arg9[%add3A_67, %dma_wait3A_84] : memref<32x512xf32, #tpu.memory_space<vmem>> -> memref<1x512xf32, #tpu.memory_space<vmem>>
              %dma_wait3A_86 = tpu.memref_squeeze %dma_wait3A_85 : memref<1x512xf32, #tpu.memory_space<vmem>> -> memref<512xf32, #tpu.memory_space<vmem>>
              %dma_wait3A_87 = arith.constant 0 : i32
              %dma_wait3A_88 = tpu.memref_slice %arg6[%select_n3A, %add3A_71, %dma_wait3A_87] : memref<16x1434x512xf32, #tpu.memory_space<hbm>> -> memref<1x1x512xf32, #tpu.memory_space<hbm>>
              %dma_wait3A_89 = tpu.memref_squeeze %dma_wait3A_88 : memref<1x1x512xf32, #tpu.memory_space<hbm>> -> memref<512xf32, #tpu.memory_space<hbm>>
              %dma_wait3A_90 = arith.constant 0 : i32
              %dma_wait3A_91 = tpu.memref_slice %arg6[%select_n3A, %add3A_71, %dma_wait3A_90] : memref<16x1434x512xf32, #tpu.memory_space<hbm>> -> memref<1x1x512xf32, #tpu.memory_space<hbm>>
              %dma_wait3A_92 = tpu.memref_squeeze %dma_wait3A_91 : memref<1x1x512xf32, #tpu.memory_space<hbm>> -> memref<512xf32, #tpu.memory_space<hbm>>
              %dma_wait3A_93 = arith.constant 0 : i32
              %dma_wait3A_94 = tpu.memref_slice %arg9[%add3A_67, %dma_wait3A_93] : memref<32x512xf32, #tpu.memory_space<vmem>> -> memref<1x512xf32, #tpu.memory_space<vmem>>
              %dma_wait3A_95 = tpu.memref_squeeze %dma_wait3A_94 : memref<1x512xf32, #tpu.memory_space<vmem>> -> memref<512xf32, #tpu.memory_space<vmem>>
              tpu.wait_dma2 semaphore(%run_scoped3A : memref<!tpu.dma_semaphore, #tpu.memory_space<semaphore_mem>>) src(%dma_wait3A_95 : memref<512xf32, #tpu.memory_space<vmem>>) dst(%dma_wait3A_92 : memref<512xf32, #tpu.memory_space<hbm>>)
              tpu.yield
            }) : () -> ()
          }
          %scan3A_62 = arith.constant 26 : i32
        } else {
        }
      } else {
      }
    }
    %scan3A_23 = arith.constant 23 : i32
    return
  }
}

module attributes {stable_mosaic.version = 14 : i64} {
  func.func @_metric_body(%arg0: i32, %arg1: memref<1x1024x1024xf32, #tpu.memory_space<vmem>>, %arg2: memref<1x1024x1xf32, #tpu.memory_space<vmem>>, %arg3: memref<1x1024x1xf32, #tpu.memory_space<vmem>>) attributes {dimension_semantics = [#tpu.dimension_semantics<arbitrary>], iteration_bounds = array<i64: 16>, scalar_prefetch = 0 : i64, scratch_operands = 0 : i64, tpu.core_type = #tpu.core_type<tc>, window_params = [{transform_indices = @transform_0, window_bounds = array<i64: 1, 1024, 1024>}, {transform_indices = @transform_1, window_bounds = array<i64: 1, 1024, 1>}, {transform_indices = @transform_2, window_bounds = array<i64: 1, 1024, 1>}]} {
    %get3A = arith.constant 0 : index
    %get3A_0 = arith.constant 0 : index
    %get3A_1 = arith.constant 0 : index
    %get3A_2 = vector.load %arg1[%get3A, %get3A_0, %get3A_1] : memref<1x1024x1024xf32, #tpu.memory_space<vmem>>, vector<1x1024x1024xf32>
    %get3A_3 = vector.shape_cast %get3A_2 : vector<1x1024x1024xf32> to vector<1024x1024xf32>
    %slice3A = vector.extract_strided_slice %get3A_3 {offsets = [0, 0], sizes = [1024, 512], strides = [1, 1]} : vector<1024x1024xf32> to vector<1024x512xf32>
    %reduce_sum3A = arith.constant dense<0.000000e+00> : vector<1024xf32>
    %reduce_sum3A_4 = vector.multi_reduction <add>, %slice3A, %reduce_sum3A [1] : vector<1024x512xf32> to vector<1024xf32>
    %broadcast_in_dim3A = vector.shape_cast %reduce_sum3A_4 : vector<1024xf32> to vector<1024x1xf32>
    %swap3A = arith.constant 0 : index
    %swap3A_5 = arith.constant 0 : index
    %swap3A_6 = arith.constant 0 : index
    %swap3A_7 = vector.load %arg2[%swap3A, %swap3A_5, %swap3A_6] : memref<1x1024x1xf32, #tpu.memory_space<vmem>>, vector<1x1024x1xf32>
    %swap3A_8 = vector.shape_cast %swap3A_7 : vector<1x1024x1xf32> to vector<1024x1xf32>
    %swap3A_9 = vector.shape_cast %broadcast_in_dim3A : vector<1024x1xf32> to vector<1x1024x1xf32>
    tpu.vector_store %arg2[%swap3A, %swap3A_5, %swap3A_6], %swap3A_9 {strides = array<i32>} : memref<1x1024x1xf32, #tpu.memory_space<vmem>>, vector<1x1024x1xf32>,
    %slice3A_10 = vector.extract_strided_slice %get3A_3 {offsets = [0, 512], sizes = [1024, 512], strides = [1, 1]} : vector<1024x1024xf32> to vector<1024x512xf32>
    %reduce_sum3A_11 = arith.constant dense<0.000000e+00> : vector<1024xf32>
    %reduce_sum3A_12 = vector.multi_reduction <add>, %slice3A_10, %reduce_sum3A_11 [1] : vector<1024x512xf32> to vector<1024xf32>
    %broadcast_in_dim3A_13 = vector.shape_cast %reduce_sum3A_12 : vector<1024xf32> to vector<1024x1xf32>
    %swap3A_14 = arith.constant 0 : index
    %swap3A_15 = arith.constant 0 : index
    %swap3A_16 = arith.constant 0 : index
    %swap3A_17 = vector.load %arg3[%swap3A_14, %swap3A_15, %swap3A_16] : memref<1x1024x1xf32, #tpu.memory_space<vmem>>, vector<1x1024x1xf32>
    %swap3A_18 = vector.shape_cast %swap3A_17 : vector<1x1024x1xf32> to vector<1024x1xf32>
    %swap3A_19 = vector.shape_cast %broadcast_in_dim3A_13 : vector<1024x1xf32> to vector<1x1024x1xf32>
    tpu.vector_store %arg3[%swap3A_14, %swap3A_15, %swap3A_16], %swap3A_19 {strides = array<i32>} : memref<1x1024x1xf32, #tpu.memory_space<vmem>>, vector<1x1024x1xf32>,
    return
  }
  func.func @transform_0(%arg0: i32) -> (i32, i32, i32) {
    %c0_i32 = arith.constant 0 : i32
    %c0_i32_0 = arith.constant 0 : i32
    %c0_i32_1 = arith.constant 0 : i32
    return %arg0, %c0_i32, %c0_i32_0 : i32, i32, i32
  }
  func.func @transform_1(%arg0: i32) -> (i32, i32, i32) {
    %c0_i32 = arith.constant 0 : i32
    %c0_i32_0 = arith.constant 0 : i32
    %c0_i32_1 = arith.constant 0 : i32
    return %arg0, %c0_i32, %c0_i32_0 : i32, i32, i32
  }
  func.func @transform_2(%arg0: i32) -> (i32, i32, i32) {
    %c0_i32 = arith.constant 0 : i32
    %c0_i32_0 = arith.constant 0 : i32
    %c0_i32_1 = arith.constant 0 : i32
    return %arg0, %c0_i32, %c0_i32_0 : i32, i32, i32
  }
}

module attributes {stable_mosaic.version = 14 : i64} {
  func.func @_plan_body(%arg0: i32, %arg1: memref<1x1024x1xf32, #tpu.memory_space<vmem>>, %arg2: memref<1x1024x1xf32, #tpu.memory_space<vmem>>, %arg3: memref<1x1024x1xi32, #tpu.memory_space<vmem>>, %arg4: memref<1x1024x1xi32, #tpu.memory_space<vmem>>, %arg5: memref<1x1x1434xi32, #tpu.memory_space<vmem>>, %arg6: memref<1x1024x4xf32, #tpu.memory_space<vmem>>, %arg7: memref<1x4x1xf32, #tpu.memory_space<vmem>>, %arg8: memref<1x1x4xi32, #tpu.memory_space<vmem>>, %arg9: memref<1x1x4xi32, #tpu.memory_space<vmem>>) attributes {dimension_semantics = [#tpu.dimension_semantics<arbitrary>], iteration_bounds = array<i64: 16>, scalar_prefetch = 0 : i64, scratch_operands = 0 : i64, tpu.core_type = #tpu.core_type<tc>, window_params = [{transform_indices = @transform_0, window_bounds = array<i64: 1, 1024, 1>}, {transform_indices = @transform_1, window_bounds = array<i64: 1, 1024, 1>}, {transform_indices = @transform_2, window_bounds = array<i64: 1, 1024, 1>}, {transform_indices = @transform_3, window_bounds = array<i64: 1, 1024, 1>}, {transform_indices = @transform_4, window_bounds = array<i64: 1, 1, 1434>}, {transform_indices = @transform_5, window_bounds = array<i64: 1, 1024, 4>}, {transform_indices = @transform_6, window_bounds = array<i64: 1, 4, 1>}, {transform_indices = @transform_7, window_bounds = array<i64: 1, 1, 4>}, {transform_indices = @transform_8, window_bounds = array<i64: 1, 1, 4>}]} {
    %get3A = arith.constant 0 : index
    %get3A_0 = arith.constant 0 : index
    %get3A_1 = arith.constant 0 : index
    %get3A_2 = vector.load %arg1[%get3A, %get3A_0, %get3A_1] : memref<1x1024x1xf32, #tpu.memory_space<vmem>>, vector<1x1024x1xf32>
    %get3A_3 = vector.shape_cast %get3A_2 : vector<1x1024x1xf32> to vector<1024x1xf32>
    %div3A = arith.constant 5.120000e+02 : f32
    %div3A_4 = vector.broadcast %div3A : f32 to vector<1024x1xf32>
    %div3A_5 = arith.divf %get3A_3, %div3A_4 : vector<1024x1xf32>
    %get3A_6 = arith.constant 0 : index
    %get3A_7 = arith.constant 0 : index
    %get3A_8 = arith.constant 0 : index
    %get3A_9 = vector.load %arg2[%get3A_6, %get3A_7, %get3A_8] : memref<1x1024x1xf32, #tpu.memory_space<vmem>>, vector<1x1024x1xf32>
    %get3A_10 = vector.shape_cast %get3A_9 : vector<1x1024x1xf32> to vector<1024x1xf32>
    %div3A_11 = arith.constant 5.120000e+02 : f32
    %div3A_12 = vector.broadcast %div3A_11 : f32 to vector<1024x1xf32>
    %div3A_13 = arith.divf %get3A_10, %div3A_12 : vector<1024x1xf32>
    %mul3A = arith.mulf %div3A_5, %div3A_5 : vector<1024x1xf32>
    %reduce_sum3A = vector.shape_cast %mul3A : vector<1024x1xf32> to vector<1x1024x1xf32>
    %reduce_sum3A_14 = arith.constant dense<0.000000e+00> : vector<1xf32>
    %reduce_sum3A_15 = vector.multi_reduction <add>, %reduce_sum3A, %reduce_sum3A_14 [1, 2] : vector<1x1024x1xf32> to vector<1xf32>
    %reduce_sum3A_16 = vector.shape_cast %reduce_sum3A_15 : vector<1xf32> to vector<1x1x1xf32>
    %reduce_sum3A_17 = vector.extract %reduce_sum3A_16[0, 0, 0] : f32 from vector<1x1x1xf32>
    %broadcast_in_dim3A = vector.broadcast %reduce_sum3A_17 : f32 to vector<1x1xf32>
    %mul3A_18 = arith.mulf %div3A_13, %div3A_13 : vector<1024x1xf32>
    %reduce_sum3A_19 = vector.shape_cast %mul3A_18 : vector<1024x1xf32> to vector<1x1024x1xf32>
    %reduce_sum3A_20 = arith.constant dense<0.000000e+00> : vector<1xf32>
    %reduce_sum3A_21 = vector.multi_reduction <add>, %reduce_sum3A_19, %reduce_sum3A_20 [1, 2] : vector<1x1024x1xf32> to vector<1xf32>
    %reduce_sum3A_22 = vector.shape_cast %reduce_sum3A_21 : vector<1xf32> to vector<1x1x1xf32>
    %reduce_sum3A_23 = vector.extract %reduce_sum3A_22[0, 0, 0] : f32 from vector<1x1x1xf32>
    %broadcast_in_dim3A_24 = vector.broadcast %reduce_sum3A_23 : f32 to vector<1x1xf32>
    %add3A = arith.addf %broadcast_in_dim3A, %broadcast_in_dim3A_24 : vector<1x1xf32>
    %sqrt3A = math.sqrt %add3A : vector<1x1xf32>
    %max3A = arith.constant 9.99999996E-13 : f32
    %max3A_25 = vector.broadcast %max3A : f32 to vector<1x1xf32>
    %max3A_26 = arith.maximumf %sqrt3A, %max3A_25 : vector<1x1xf32>
    %div3A_27 = vector.broadcast %max3A_26 : vector<1x1xf32> to vector<1024x1xf32>
    %div3A_28 = arith.divf %div3A_5, %div3A_27 : vector<1024x1xf32>
    %div3A_29 = vector.broadcast %max3A_26 : vector<1x1xf32> to vector<1024x1xf32>
    %div3A_30 = arith.divf %div3A_13, %div3A_29 : vector<1024x1xf32>
    %iota3A = tpu.iota {dimensions = array<i32: 0>} : vector<1024x1xi32>
    %convert_element_type3A = arith.sitofp %iota3A : vector<1024x1xi32> to vector<1024x1xf32>
    %iota3A_31 = tpu.iota {dimensions = array<i32: 0>} : vector<1024x1024xi32>
    %convert_element_type3A_32 = arith.sitofp %iota3A_31 : vector<1024x1024xi32> to vector<1024x1024xf32>
    %iota3A_33 = tpu.iota {dimensions = array<i32: 1>} : vector<1024x1024xi32>
    %convert_element_type3A_34 = arith.sitofp %iota3A_33 : vector<1024x1024xi32> to vector<1024x1024xf32>
    %eq3A = arith.cmpf oeq, %convert_element_type3A_32, %convert_element_type3A_34 : vector<1024x1024xf32>
    %convert_element_type3A_35 = arith.extui %eq3A : vector<1024x1024xi1> to vector<1024x1024xi32>
    %convert_element_type3A_36 = arith.sitofp %convert_element_type3A_35 : vector<1024x1024xi32> to vector<1024x1024xf32>
    %reduce_max3A = vector.shape_cast %div3A_30 : vector<1024x1xf32> to vector<1x1024x1xf32>
    %reduce_max3A_37 = arith.constant dense<0xFF800000> : vector<1xf32>
    %reduce_max3A_38 = vector.multi_reduction <maximumf>, %reduce_max3A, %reduce_max3A_37 [1, 2] : vector<1x1024x1xf32> to vector<1xf32>
    %reduce_max3A_39 = vector.shape_cast %reduce_max3A_38 : vector<1xf32> to vector<1x1x1xf32>
    %reduce_max3A_40 = vector.extract %reduce_max3A_39[0, 0, 0] : f32 from vector<1x1x1xf32>
    %broadcast_in_dim3A_41 = vector.broadcast %reduce_max3A_40 : f32 to vector<1x1xf32>
    %reduce_min3A = vector.shape_cast %div3A_30 : vector<1024x1xf32> to vector<1x1024x1xf32>
    %reduce_min3A_42 = arith.constant dense<0x7F800000> : vector<1xf32>
    %reduce_min3A_43 = vector.multi_reduction <minimumf>, %reduce_min3A, %reduce_min3A_42 [1, 2] : vector<1x1024x1xf32> to vector<1xf32>
    %reduce_min3A_44 = vector.shape_cast %reduce_min3A_43 : vector<1xf32> to vector<1x1x1xf32>
    %reduce_min3A_45 = vector.extract %reduce_min3A_44[0, 0, 0] : f32 from vector<1x1x1xf32>
    %broadcast_in_dim3A_46 = vector.broadcast %reduce_min3A_45 : f32 to vector<1x1xf32>
    %eq3A_47 = vector.broadcast %broadcast_in_dim3A_41 : vector<1x1xf32> to vector<1024x1xf32>
    %eq3A_48 = arith.cmpf oeq, %div3A_30, %eq3A_47 : vector<1024x1xf32>
    %jit3A = arith.constant 1.025000e+03 : f32
    %broadcast_in_dim3A_49 = vector.broadcast %jit3A : f32 to vector<1024x1xf32>
    %select_n3A = arith.select %eq3A_48, %convert_element_type3A, %broadcast_in_dim3A_49 : vector<1024x1xi1>, vector<1024x1xf32>
    %reduce_min3A_50 = vector.shape_cast %select_n3A : vector<1024x1xf32> to vector<1x1024x1xf32>
    %reduce_min3A_51 = arith.constant dense<0x7F800000> : vector<1xf32>
    %reduce_min3A_52 = vector.multi_reduction <minimumf>, %reduce_min3A_50, %reduce_min3A_51 [1, 2] : vector<1x1024x1xf32> to vector<1xf32>
    %reduce_min3A_53 = vector.shape_cast %reduce_min3A_52 : vector<1xf32> to vector<1x1x1xf32>
    %reduce_min3A_54 = vector.extract %reduce_min3A_53[0, 0, 0] : f32 from vector<1x1x1xf32>
    %broadcast_in_dim3A_55 = vector.broadcast %reduce_min3A_54 : f32 to vector<1x1xf32>
    %eq3A_56 = vector.broadcast %broadcast_in_dim3A_46 : vector<1x1xf32> to vector<1024x1xf32>
    %eq3A_57 = arith.cmpf oeq, %div3A_30, %eq3A_56 : vector<1024x1xf32>
    %jit3A_58 = arith.constant 1.025000e+03 : f32
    %broadcast_in_dim3A_59 = vector.broadcast %jit3A_58 : f32 to vector<1024x1xf32>
    %select_n3A_60 = arith.select %eq3A_57, %convert_element_type3A, %broadcast_in_dim3A_59 : vector<1024x1xi1>, vector<1024x1xf32>
    %reduce_min3A_61 = vector.shape_cast %select_n3A_60 : vector<1024x1xf32> to vector<1x1024x1xf32>
    %reduce_min3A_62 = arith.constant dense<0x7F800000> : vector<1xf32>
    %reduce_min3A_63 = vector.multi_reduction <minimumf>, %reduce_min3A_61, %reduce_min3A_62 [1, 2] : vector<1x1024x1xf32> to vector<1xf32>
    %reduce_min3A_64 = vector.shape_cast %reduce_min3A_63 : vector<1xf32> to vector<1x1x1xf32>
    %reduce_min3A_65 = vector.extract %reduce_min3A_64[0, 0, 0] : f32 from vector<1x1x1xf32>
    %broadcast_in_dim3A_66 = vector.broadcast %reduce_min3A_65 : f32 to vector<1x1xf32>
    %broadcast_in_dim3A_67 = arith.constant 0.000000e+00 : f32
    %broadcast_in_dim3A_68 = vector.broadcast %broadcast_in_dim3A_67 : f32 to vector<1x1xf32>
    %gt3A = arith.constant 0.000000e+00 : f32
    %gt3A_69 = vector.broadcast %gt3A : f32 to vector<1024x1xf32>
    %gt3A_70 = arith.cmpf ogt, %div3A_28, %gt3A_69 : vector<1024x1xf32>
    %lt3A = arith.constant 0.000000e+00 : f32
    %lt3A_71 = vector.broadcast %lt3A : f32 to vector<1024x1xf32>
    %lt3A_72 = arith.cmpf olt, %div3A_28, %lt3A_71 : vector<1024x1xf32>
    %mul3A_73 = vector.broadcast %broadcast_in_dim3A_41 : vector<1x1xf32> to vector<1024x1xf32>
    %mul3A_74 = arith.mulf %div3A_28, %mul3A_73 : vector<1024x1xf32>
    %mul3A_75 = vector.broadcast %broadcast_in_dim3A_46 : vector<1x1xf32> to vector<1024x1xf32>
    %mul3A_76 = arith.mulf %div3A_28, %mul3A_75 : vector<1024x1xf32>
    %broadcast_in_dim3A_77 = vector.shape_cast %broadcast_in_dim3A_68 : vector<1x1xf32> to vector<1x1xf32>
    %broadcast_in_dim3A_78 = vector.broadcast %broadcast_in_dim3A_77 : vector<1x1xf32> to vector<1024x1xf32>
    %select_n3A_79 = arith.select %lt3A_72, %mul3A_76, %broadcast_in_dim3A_78 : vector<1024x1xi1>, vector<1024x1xf32>
    %select_n3A_80 = arith.select %gt3A_70, %mul3A_74, %select_n3A_79 : vector<1024x1xi1>, vector<1024x1xf32>
    %broadcast_in_dim3A_81 = vector.shape_cast %broadcast_in_dim3A_66 : vector<1x1xf32> to vector<1x1xf32>
    %broadcast_in_dim3A_82 = vector.broadcast %broadcast_in_dim3A_81 : vector<1x1xf32> to vector<1024x1xf32>
    %broadcast_in_dim3A_83 = vector.shape_cast %broadcast_in_dim3A_68 : vector<1x1xf32> to vector<1x1xf32>
    %broadcast_in_dim3A_84 = vector.broadcast %broadcast_in_dim3A_83 : vector<1x1xf32> to vector<1024x1xf32>
    %select_n3A_85 = arith.select %lt3A_72, %broadcast_in_dim3A_82, %broadcast_in_dim3A_84 : vector<1024x1xi1>, vector<1024x1xf32>
    %broadcast_in_dim3A_86 = vector.shape_cast %broadcast_in_dim3A_55 : vector<1x1xf32> to vector<1x1xf32>
    %broadcast_in_dim3A_87 = vector.broadcast %broadcast_in_dim3A_86 : vector<1x1xf32> to vector<1024x1xf32>
    %select_n3A_88 = arith.select %gt3A_70, %broadcast_in_dim3A_87, %select_n3A_85 : vector<1024x1xi1>, vector<1024x1xf32>
    %mul3A_89 = vector.broadcast %select_n3A_80 : vector<1024x1xf32> to vector<1024x1024xf32>
    %mul3A_90 = arith.mulf %convert_element_type3A_36, %mul3A_89 : vector<1024x1024xf32>
    %reduce_sum3A_91 = arith.constant dense<0.000000e+00> : vector<1024xf32>
    %reduce_sum3A_92 = vector.multi_reduction <add>, %mul3A_90, %reduce_sum3A_91 [0] : vector<1024x1024xf32> to vector<1024xf32>
    %broadcast_in_dim3A_93 = vector.shape_cast %reduce_sum3A_92 : vector<1024xf32> to vector<1x1024xf32>
    %gt3A_94 = vector.broadcast %broadcast_in_dim3A_93 : vector<1x1024xf32> to vector<1024x1024xf32>
    %gt3A_95 = vector.broadcast %select_n3A_80 : vector<1024x1xf32> to vector<1024x1024xf32>
    %gt3A_96 = arith.cmpf ogt, %gt3A_94, %gt3A_95 : vector<1024x1024xf32>
    %convert_element_type3A_97 = arith.extui %gt3A_96 : vector<1024x1024xi1> to vector<1024x1024xi32>
    %convert_element_type3A_98 = arith.sitofp %convert_element_type3A_97 : vector<1024x1024xi32> to vector<1024x1024xf32>
    %eq3A_99 = vector.broadcast %broadcast_in_dim3A_93 : vector<1x1024xf32> to vector<1024x1024xf32>
    %eq3A_100 = vector.broadcast %select_n3A_80 : vector<1024x1xf32> to vector<1024x1024xf32>
    %eq3A_101 = arith.cmpf oeq, %eq3A_99, %eq3A_100 : vector<1024x1024xf32>
    %lt3A_102 = arith.cmpf olt, %convert_element_type3A_34, %convert_element_type3A_32 : vector<1024x1024xf32>
    %and3A = arith.andi %eq3A_101, %lt3A_102 : vector<1024x1024xi1>
    %convert_element_type3A_103 = arith.extui %and3A : vector<1024x1024xi1> to vector<1024x1024xi32>
    %convert_element_type3A_104 = arith.sitofp %convert_element_type3A_103 : vector<1024x1024xi32> to vector<1024x1024xf32>
    %add3A_105 = arith.addf %convert_element_type3A_98, %convert_element_type3A_104 : vector<1024x1024xf32>
    %reduce_sum3A_106 = arith.constant dense<0.000000e+00> : vector<1024xf32>
    %reduce_sum3A_107 = vector.multi_reduction <add>, %add3A_105, %reduce_sum3A_106 [1] : vector<1024x1024xf32> to vector<1024xf32>
    %broadcast_in_dim3A_108 = vector.shape_cast %reduce_sum3A_107 : vector<1024xf32> to vector<1024x1xf32>
    %lt3A_109 = arith.constant 6.140000e+02 : f32
    %lt3A_110 = vector.broadcast %lt3A_109 : f32 to vector<1024x1xf32>
    %lt3A_111 = arith.cmpf olt, %broadcast_in_dim3A_108, %lt3A_110 : vector<1024x1xf32>
    %convert_element_type3A_112 = arith.extui %lt3A_111 : vector<1024x1xi1> to vector<1024x1xi32>
    %convert_element_type3A_113 = arith.sitofp %convert_element_type3A_112 : vector<1024x1xi32> to vector<1024x1xf32>
    %mul3A_114 = vector.broadcast %convert_element_type3A_113 : vector<1024x1xf32> to vector<1024x1024xf32>
    %mul3A_115 = arith.mulf %convert_element_type3A_36, %mul3A_114 : vector<1024x1024xf32>
    %reduce_sum3A_116 = arith.constant dense<0.000000e+00> : vector<1024xf32>
    %reduce_sum3A_117 = vector.multi_reduction <add>, %mul3A_115, %reduce_sum3A_116 [0] : vector<1024x1024xf32> to vector<1024xf32>
    %broadcast_in_dim3A_118 = vector.shape_cast %reduce_sum3A_117 : vector<1024xf32> to vector<1x1024xf32>
    %le3A = arith.cmpf ole, %convert_element_type3A_34, %convert_element_type3A_32 : vector<1024x1024xf32>
    %convert_element_type3A_119 = arith.extui %le3A : vector<1024x1024xi1> to vector<1024x1024xi32>
    %convert_element_type3A_120 = arith.sitofp %convert_element_type3A_119 : vector<1024x1024xi32> to vector<1024x1024xf32>
    %mul3A_121 = vector.broadcast %broadcast_in_dim3A_118 : vector<1x1024xf32> to vector<1024x1024xf32>
    %mul3A_122 = arith.mulf %convert_element_type3A_120, %mul3A_121 : vector<1024x1024xf32>
    %reduce_sum3A_123 = arith.constant dense<0.000000e+00> : vector<1024xf32>
    %reduce_sum3A_124 = vector.multi_reduction <add>, %mul3A_122, %reduce_sum3A_123 [1] : vector<1024x1024xf32> to vector<1024xf32>
    %broadcast_in_dim3A_125 = vector.shape_cast %reduce_sum3A_124 : vector<1024xf32> to vector<1024x1xf32>
    %sub3A = arith.subf %broadcast_in_dim3A_125, %convert_element_type3A_113 : vector<1024x1xf32>
    %eq3A_126 = vector.broadcast %broadcast_in_dim3A_55 : vector<1x1xf32> to vector<1024x1xf32>
    %eq3A_127 = arith.cmpf oeq, %convert_element_type3A, %eq3A_126 : vector<1024x1xf32>
    %broadcast_in_dim3A_128 = vector.shape_cast %broadcast_in_dim3A_68 : vector<1x1xf32> to vector<1x1xf32>
    %broadcast_in_dim3A_129 = vector.broadcast %broadcast_in_dim3A_128 : vector<1x1xf32> to vector<1024x1xf32>
    %select_n3A_130 = arith.select %eq3A_127, %broadcast_in_dim3A_125, %broadcast_in_dim3A_129 : vector<1024x1xi1>, vector<1024x1xf32>
    %reduce_sum3A_131 = vector.shape_cast %select_n3A_130 : vector<1024x1xf32> to vector<1x1024x1xf32>
    %reduce_sum3A_132 = arith.constant dense<0.000000e+00> : vector<1xf32>
    %reduce_sum3A_133 = vector.multi_reduction <add>, %reduce_sum3A_131, %reduce_sum3A_132 [1, 2] : vector<1x1024x1xf32> to vector<1xf32>
    %reduce_sum3A_134 = vector.shape_cast %reduce_sum3A_133 : vector<1xf32> to vector<1x1x1xf32>
    %reduce_sum3A_135 = vector.extract %reduce_sum3A_134[0, 0, 0] : f32 from vector<1x1x1xf32>
    %broadcast_in_dim3A_136 = vector.broadcast %reduce_sum3A_135 : f32 to vector<1x1xf32>
    %eq3A_137 = vector.broadcast %broadcast_in_dim3A_66 : vector<1x1xf32> to vector<1024x1xf32>
    %eq3A_138 = arith.cmpf oeq, %convert_element_type3A, %eq3A_137 : vector<1024x1xf32>
    %broadcast_in_dim3A_139 = vector.shape_cast %broadcast_in_dim3A_68 : vector<1x1xf32> to vector<1x1xf32>
    %broadcast_in_dim3A_140 = vector.broadcast %broadcast_in_dim3A_139 : vector<1x1xf32> to vector<1024x1xf32>
    %select_n3A_141 = arith.select %eq3A_138, %broadcast_in_dim3A_125, %broadcast_in_dim3A_140 : vector<1024x1xi1>, vector<1024x1xf32>
    %reduce_sum3A_142 = vector.shape_cast %select_n3A_141 : vector<1024x1xf32> to vector<1x1024x1xf32>
    %reduce_sum3A_143 = arith.constant dense<0.000000e+00> : vector<1xf32>
    %reduce_sum3A_144 = vector.multi_reduction <add>, %reduce_sum3A_142, %reduce_sum3A_143 [1, 2] : vector<1x1024x1xf32> to vector<1xf32>
    %reduce_sum3A_145 = vector.shape_cast %reduce_sum3A_144 : vector<1xf32> to vector<1x1x1xf32>
    %reduce_sum3A_146 = vector.extract %reduce_sum3A_145[0, 0, 0] : f32 from vector<1x1x1xf32>
    %broadcast_in_dim3A_147 = vector.broadcast %reduce_sum3A_146 : f32 to vector<1x1xf32>
    %eq3A_148 = vector.broadcast %broadcast_in_dim3A_68 : vector<1x1xf32> to vector<1024x1xf32>
    %eq3A_149 = arith.cmpf oeq, %convert_element_type3A, %eq3A_148 : vector<1024x1xf32>
    %broadcast_in_dim3A_150 = vector.shape_cast %broadcast_in_dim3A_68 : vector<1x1xf32> to vector<1x1xf32>
    %broadcast_in_dim3A_151 = vector.broadcast %broadcast_in_dim3A_150 : vector<1x1xf32> to vector<1024x1xf32>
    %select_n3A_152 = arith.select %eq3A_149, %broadcast_in_dim3A_125, %broadcast_in_dim3A_151 : vector<1024x1xi1>, vector<1024x1xf32>
    %reduce_sum3A_153 = vector.shape_cast %select_n3A_152 : vector<1024x1xf32> to vector<1x1024x1xf32>
    %reduce_sum3A_154 = arith.constant dense<0.000000e+00> : vector<1xf32>
    %reduce_sum3A_155 = vector.multi_reduction <add>, %reduce_sum3A_153, %reduce_sum3A_154 [1, 2] : vector<1x1024x1xf32> to vector<1xf32>
    %reduce_sum3A_156 = vector.shape_cast %reduce_sum3A_155 : vector<1xf32> to vector<1x1x1xf32>
    %reduce_sum3A_157 = vector.extract %reduce_sum3A_156[0, 0, 0] : f32 from vector<1x1x1xf32>
    %broadcast_in_dim3A_158 = vector.broadcast %reduce_sum3A_157 : f32 to vector<1x1xf32>
    %broadcast_in_dim3A_159 = vector.shape_cast %broadcast_in_dim3A_147 : vector<1x1xf32> to vector<1x1xf32>
    %broadcast_in_dim3A_160 = vector.broadcast %broadcast_in_dim3A_159 : vector<1x1xf32> to vector<1024x1xf32>
    %broadcast_in_dim3A_161 = vector.shape_cast %broadcast_in_dim3A_158 : vector<1x1xf32> to vector<1x1xf32>
    %broadcast_in_dim3A_162 = vector.broadcast %broadcast_in_dim3A_161 : vector<1x1xf32> to vector<1024x1xf32>
    %select_n3A_163 = arith.select %lt3A_72, %broadcast_in_dim3A_160, %broadcast_in_dim3A_162 : vector<1024x1xi1>, vector<1024x1xf32>
    %broadcast_in_dim3A_164 = vector.shape_cast %broadcast_in_dim3A_136 : vector<1x1xf32> to vector<1x1xf32>
    %broadcast_in_dim3A_165 = vector.broadcast %broadcast_in_dim3A_164 : vector<1x1xf32> to vector<1024x1xf32>
    %select_n3A_166 = arith.select %gt3A_70, %broadcast_in_dim3A_165, %select_n3A_163 : vector<1024x1xi1>, vector<1024x1xf32>
    %mul3A_167 = arith.constant 2.000000e+00 : f32
    %mul3A_168 = vector.broadcast %mul3A_167 : f32 to vector<1024x1xf32>
    %mul3A_169 = arith.mulf %mul3A_168, %convert_element_type3A : vector<1024x1xf32>
    %mul3A_170 = arith.constant 2.000000e+00 : f32
    %mul3A_171 = vector.broadcast %mul3A_170 : f32 to vector<1024x1xf32>
    %mul3A_172 = arith.mulf %mul3A_171, %select_n3A_88 : vector<1024x1xf32>
    %add3A_173 = arith.constant 1.000000e+00 : f32
    %add3A_174 = vector.broadcast %add3A_173 : f32 to vector<1024x1xf32>
    %add3A_175 = arith.addf %mul3A_172, %add3A_174 : vector<1024x1xf32>
    %sub3A_176 = arith.subf %add3A_175, %select_n3A_166 : vector<1024x1xf32>
    %sub3A_177 = arith.subf %mul3A_169, %sub3A : vector<1024x1xf32>
    %select_n3A_178 = arith.select %lt3A_111, %sub3A_176, %sub3A_177 : vector<1024x1xi1>, vector<1024x1xf32>
    %add3A_179 = arith.constant 1.000000e+00 : f32
    %add3A_180 = vector.broadcast %add3A_179 : f32 to vector<1024x1xf32>
    %add3A_181 = arith.addf %mul3A_169, %add3A_180 : vector<1024x1xf32>
    %sub3A_182 = arith.subf %add3A_181, %broadcast_in_dim3A_125 : vector<1024x1xf32>
    %convert_element_type3A_183 = arith.fptosi %select_n3A_178 : vector<1024x1xf32> to vector<1024x1xi32>
    %swap3A = arith.constant 0 : index
    %swap3A_184 = arith.constant 0 : index
    %swap3A_185 = arith.constant 0 : index
    %swap3A_186 = vector.load %arg3[%swap3A, %swap3A_184, %swap3A_185] : memref<1x1024x1xi32, #tpu.memory_space<vmem>>, vector<1x1024x1xi32>
    %swap3A_187 = vector.shape_cast %swap3A_186 : vector<1x1024x1xi32> to vector<1024x1xi32>
    %swap3A_188 = vector.shape_cast %convert_element_type3A_183 : vector<1024x1xi32> to vector<1x1024x1xi32>
    tpu.vector_store %arg3[%swap3A, %swap3A_184, %swap3A_185], %swap3A_188 {strides = array<i32>} : memref<1x1024x1xi32, #tpu.memory_space<vmem>>, vector<1x1024x1xi32>,
    %convert_element_type3A_189 = arith.fptosi %sub3A_182 : vector<1024x1xf32> to vector<1024x1xi32>
    %swap3A_190 = arith.constant 0 : index
    %swap3A_191 = arith.constant 0 : index
    %swap3A_192 = arith.constant 0 : index
    %swap3A_193 = vector.load %arg4[%swap3A_190, %swap3A_191, %swap3A_192] : memref<1x1024x1xi32, #tpu.memory_space<vmem>>, vector<1x1024x1xi32>
    %swap3A_194 = vector.shape_cast %swap3A_193 : vector<1x1024x1xi32> to vector<1024x1xi32>
    %swap3A_195 = vector.shape_cast %convert_element_type3A_189 : vector<1024x1xi32> to vector<1x1024x1xi32>
    tpu.vector_store %arg4[%swap3A_190, %swap3A_191, %swap3A_192], %swap3A_195 {strides = array<i32>} : memref<1x1024x1xi32, #tpu.memory_space<vmem>>, vector<1x1024x1xi32>,
    %sub3A_196 = arith.subf %mul3A_169, %sub3A : vector<1024x1xf32>
    %add3A_197 = arith.constant 1.000000e+00 : f32
    %add3A_198 = vector.broadcast %add3A_197 : f32 to vector<1024x1xf32>
    %add3A_199 = arith.addf %mul3A_169, %add3A_198 : vector<1024x1xf32>
    %sub3A_200 = arith.subf %add3A_199, %broadcast_in_dim3A_125 : vector<1024x1xf32>
    %sub3A_201 = arith.constant 1.000000e+00 : f32
    %sub3A_202 = vector.broadcast %sub3A_201 : f32 to vector<1024x1xf32>
    %sub3A_203 = arith.subf %sub3A_202, %convert_element_type3A_113 : vector<1024x1xf32>
    %iota3A_204 = tpu.iota {dimensions = array<i32: 1>} : vector<1024x1434xi32>
    %convert_element_type3A_205 = arith.sitofp %iota3A_204 : vector<1024x1434xi32> to vector<1024x1434xf32>
    %eq3A_206 = vector.broadcast %sub3A_196 : vector<1024x1xf32> to vector<1024x1434xf32>
    %eq3A_207 = arith.cmpf oeq, %eq3A_206, %convert_element_type3A_205 : vector<1024x1434xf32>
    %convert_element_type3A_208 = arith.extui %eq3A_207 : vector<1024x1434xi1> to vector<1024x1434xi32>
    %convert_element_type3A_209 = arith.sitofp %convert_element_type3A_208 : vector<1024x1434xi32> to vector<1024x1434xf32>
    %mul3A_210 = vector.broadcast %sub3A_203 : vector<1024x1xf32> to vector<1024x1434xf32>
    %mul3A_211 = arith.mulf %convert_element_type3A_209, %mul3A_210 : vector<1024x1434xf32>
    %eq3A_212 = vector.broadcast %sub3A_200 : vector<1024x1xf32> to vector<1024x1434xf32>
    %eq3A_213 = arith.cmpf oeq, %eq3A_212, %convert_element_type3A_205 : vector<1024x1434xf32>
    %convert_element_type3A_214 = arith.extui %eq3A_213 : vector<1024x1434xi1> to vector<1024x1434xi32>
    %convert_element_type3A_215 = arith.sitofp %convert_element_type3A_214 : vector<1024x1434xi32> to vector<1024x1434xf32>
    %mul3A_216 = vector.broadcast %mul3A_169 : vector<1024x1xf32> to vector<1024x1434xf32>
    %mul3A_217 = arith.mulf %mul3A_211, %mul3A_216 : vector<1024x1434xf32>
    %add3A_218 = arith.constant 1.000000e+00 : f32
    %add3A_219 = vector.broadcast %add3A_218 : f32 to vector<1024x1xf32>
    %add3A_220 = arith.addf %mul3A_169, %add3A_219 : vector<1024x1xf32>
    %mul3A_221 = vector.broadcast %add3A_220 : vector<1024x1xf32> to vector<1024x1434xf32>
    %mul3A_222 = arith.mulf %convert_element_type3A_215, %mul3A_221 : vector<1024x1434xf32>
    %add3A_223 = arith.addf %mul3A_217, %mul3A_222 : vector<1024x1434xf32>
    %reduce_sum3A_224 = arith.constant dense<0.000000e+00> : vector<1434xf32>
    %reduce_sum3A_225 = vector.multi_reduction <add>, %add3A_223, %reduce_sum3A_224 [0] : vector<1024x1434xf32> to vector<1434xf32>
    %broadcast_in_dim3A_226 = vector.shape_cast %reduce_sum3A_225 : vector<1434xf32> to vector<1x1434xf32>
    %convert_element_type3A_227 = arith.sitofp %arg0 : i32 to f32
    %mul3A_228 = arith.constant 2.048000e+03 : f32
    %mul3A_229 = arith.mulf %mul3A_228, %convert_element_type3A_227 : f32
    %add3A_230 = vector.broadcast %mul3A_229 : f32 to vector<1x1434xf32>
    %add3A_231 = arith.addf %broadcast_in_dim3A_226, %add3A_230 : vector<1x1434xf32>
    %convert_element_type3A_232 = arith.fptosi %add3A_231 : vector<1x1434xf32> to vector<1x1434xi32>
    %swap3A_233 = arith.constant 0 : index
    %swap3A_234 = arith.constant 0 : index
    %swap3A_235 = arith.constant 0 : index
    %swap3A_236 = vector.load %arg5[%swap3A_233, %swap3A_234, %swap3A_235] : memref<1x1x1434xi32, #tpu.memory_space<vmem>>, vector<1x1x1434xi32>
    %swap3A_237 = vector.shape_cast %swap3A_236 : vector<1x1x1434xi32> to vector<1x1434xi32>
    %swap3A_238 = vector.shape_cast %convert_element_type3A_232 : vector<1x1434xi32> to vector<1x1x1434xi32>
    tpu.vector_store %arg5[%swap3A_233, %swap3A_234, %swap3A_235], %swap3A_238 {strides = array<i32>} : memref<1x1x1434xi32, #tpu.memory_space<vmem>>, vector<1x1x1434xi32>,
    %eq3A_239 = vector.broadcast %broadcast_in_dim3A_55 : vector<1x1xf32> to vector<1024x1xf32>
    %eq3A_240 = arith.cmpf oeq, %select_n3A_88, %eq3A_239 : vector<1024x1xf32>
    %convert_element_type3A_241 = arith.extui %eq3A_240 : vector<1024x1xi1> to vector<1024x1xi32>
    %convert_element_type3A_242 = arith.sitofp %convert_element_type3A_241 : vector<1024x1xi32> to vector<1024x1xf32>
    %mul3A_243 = arith.mulf %convert_element_type3A_113, %convert_element_type3A_242 : vector<1024x1xf32>
    %reduce_sum3A_244 = vector.shape_cast %mul3A_243 : vector<1024x1xf32> to vector<1x1024x1xf32>
    %reduce_sum3A_245 = arith.constant dense<0.000000e+00> : vector<1xf32>
    %reduce_sum3A_246 = vector.multi_reduction <add>, %reduce_sum3A_244, %reduce_sum3A_245 [1, 2] : vector<1x1024x1xf32> to vector<1xf32>
    %reduce_sum3A_247 = vector.shape_cast %reduce_sum3A_246 : vector<1xf32> to vector<1x1x1xf32>
    %reduce_sum3A_248 = vector.extract %reduce_sum3A_247[0, 0, 0] : f32 from vector<1x1x1xf32>
    %broadcast_in_dim3A_249 = vector.broadcast %reduce_sum3A_248 : f32 to vector<1x1xf32>
    %add3A_250 = arith.constant 1.000000e+00 : f32
    %add3A_251 = vector.broadcast %add3A_250 : f32 to vector<1x1xf32>
    %add3A_252 = arith.addf %add3A_251, %broadcast_in_dim3A_249 : vector<1x1xf32>
    %mul3A_253 = arith.constant 2.000000e+00 : f32
    %mul3A_254 = vector.broadcast %mul3A_253 : f32 to vector<1x1xf32>
    %mul3A_255 = arith.mulf %mul3A_254, %broadcast_in_dim3A_55 : vector<1x1xf32>
    %add3A_256 = arith.constant 1.000000e+00 : f32
    %add3A_257 = vector.broadcast %add3A_256 : f32 to vector<1x1xf32>
    %add3A_258 = arith.addf %mul3A_255, %add3A_257 : vector<1x1xf32>
    %sub3A_259 = arith.subf %add3A_258, %broadcast_in_dim3A_136 : vector<1x1xf32>
    %eq3A_260 = vector.broadcast %broadcast_in_dim3A_66 : vector<1x1xf32> to vector<1024x1xf32>
    %eq3A_261 = arith.cmpf oeq, %select_n3A_88, %eq3A_260 : vector<1024x1xf32>
    %convert_element_type3A_262 = arith.extui %eq3A_261 : vector<1024x1xi1> to vector<1024x1xi32>
    %convert_element_type3A_263 = arith.sitofp %convert_element_type3A_262 : vector<1024x1xi32> to vector<1024x1xf32>
    %mul3A_264 = arith.mulf %convert_element_type3A_113, %convert_element_type3A_263 : vector<1024x1xf32>
    %reduce_sum3A_265 = vector.shape_cast %mul3A_264 : vector<1024x1xf32> to vector<1x1024x1xf32>
    %reduce_sum3A_266 = arith.constant dense<0.000000e+00> : vector<1xf32>
    %reduce_sum3A_267 = vector.multi_reduction <add>, %reduce_sum3A_265, %reduce_sum3A_266 [1, 2] : vector<1x1024x1xf32> to vector<1xf32>
    %reduce_sum3A_268 = vector.shape_cast %reduce_sum3A_267 : vector<1xf32> to vector<1x1x1xf32>
    %reduce_sum3A_269 = vector.extract %reduce_sum3A_268[0, 0, 0] : f32 from vector<1x1x1xf32>
    %broadcast_in_dim3A_270 = vector.broadcast %reduce_sum3A_269 : f32 to vector<1x1xf32>
    %add3A_271 = arith.constant 1.000000e+00 : f32
    %add3A_272 = vector.broadcast %add3A_271 : f32 to vector<1x1xf32>
    %add3A_273 = arith.addf %add3A_272, %broadcast_in_dim3A_270 : vector<1x1xf32>
    %mul3A_274 = arith.constant 2.000000e+00 : f32
    %mul3A_275 = vector.broadcast %mul3A_274 : f32 to vector<1x1xf32>
    %mul3A_276 = arith.mulf %mul3A_275, %broadcast_in_dim3A_66 : vector<1x1xf32>
    %add3A_277 = arith.constant 1.000000e+00 : f32
    %add3A_278 = vector.broadcast %add3A_277 : f32 to vector<1x1xf32>
    %add3A_279 = arith.addf %mul3A_276, %add3A_278 : vector<1x1xf32>
    %sub3A_280 = arith.subf %add3A_279, %broadcast_in_dim3A_147 : vector<1x1xf32>
    %eq3A_281 = vector.broadcast %broadcast_in_dim3A_68 : vector<1x1xf32> to vector<1024x1xf32>
    %eq3A_282 = arith.cmpf oeq, %select_n3A_88, %eq3A_281 : vector<1024x1xf32>
    %convert_element_type3A_283 = arith.extui %eq3A_282 : vector<1024x1xi1> to vector<1024x1xi32>
    %convert_element_type3A_284 = arith.sitofp %convert_element_type3A_283 : vector<1024x1xi32> to vector<1024x1xf32>
    %mul3A_285 = arith.mulf %convert_element_type3A_113, %convert_element_type3A_284 : vector<1024x1xf32>
    %reduce_sum3A_286 = vector.shape_cast %mul3A_285 : vector<1024x1xf32> to vector<1x1024x1xf32>
    %reduce_sum3A_287 = arith.constant dense<0.000000e+00> : vector<1xf32>
    %reduce_sum3A_288 = vector.multi_reduction <add>, %reduce_sum3A_286, %reduce_sum3A_287 [1, 2] : vector<1x1024x1xf32> to vector<1xf32>
    %reduce_sum3A_289 = vector.shape_cast %reduce_sum3A_288 : vector<1xf32> to vector<1x1x1xf32>
    %reduce_sum3A_290 = vector.extract %reduce_sum3A_289[0, 0, 0] : f32 from vector<1x1x1xf32>
    %broadcast_in_dim3A_291 = vector.broadcast %reduce_sum3A_290 : f32 to vector<1x1xf32>
    %add3A_292 = arith.constant 1.000000e+00 : f32
    %add3A_293 = vector.broadcast %add3A_292 : f32 to vector<1x1xf32>
    %add3A_294 = arith.addf %add3A_293, %broadcast_in_dim3A_291 : vector<1x1xf32>
    %mul3A_295 = arith.constant 2.000000e+00 : f32
    %mul3A_296 = vector.broadcast %mul3A_295 : f32 to vector<1x1xf32>
    %mul3A_297 = arith.mulf %mul3A_296, %broadcast_in_dim3A_68 : vector<1x1xf32>
    %add3A_298 = arith.constant 1.000000e+00 : f32
    %add3A_299 = vector.broadcast %add3A_298 : f32 to vector<1x1xf32>
    %add3A_300 = arith.addf %mul3A_297, %add3A_299 : vector<1x1xf32>
    %sub3A_301 = arith.subf %add3A_300, %broadcast_in_dim3A_158 : vector<1x1xf32>
    %eq3A_302 = vector.broadcast %broadcast_in_dim3A_68 : vector<1x1xf32> to vector<1024x1xf32>
    %eq3A_303 = arith.cmpf oeq, %select_n3A_88, %eq3A_302 : vector<1024x1xf32>
    %convert_element_type3A_304 = arith.extui %eq3A_303 : vector<1024x1xi1> to vector<1024x1xi32>
    %convert_element_type3A_305 = arith.sitofp %convert_element_type3A_304 : vector<1024x1xi32> to vector<1024x1xf32>
    %mul3A_306 = arith.mulf %convert_element_type3A_113, %convert_element_type3A_305 : vector<1024x1xf32>
    %reduce_sum3A_307 = vector.shape_cast %mul3A_306 : vector<1024x1xf32> to vector<1x1024x1xf32>
    %reduce_sum3A_308 = arith.constant dense<0.000000e+00> : vector<1xf32>
    %reduce_sum3A_309 = vector.multi_reduction <add>, %reduce_sum3A_307, %reduce_sum3A_308 [1, 2] : vector<1x1024x1xf32> to vector<1xf32>
    %reduce_sum3A_310 = vector.shape_cast %reduce_sum3A_309 : vector<1xf32> to vector<1x1x1xf32>
    %reduce_sum3A_311 = vector.extract %reduce_sum3A_310[0, 0, 0] : f32 from vector<1x1x1xf32>
    %broadcast_in_dim3A_312 = vector.broadcast %reduce_sum3A_311 : f32 to vector<1x1xf32>
    %add3A_313 = arith.constant 1.000000e+00 : f32
    %add3A_314 = vector.broadcast %add3A_313 : f32 to vector<1x1xf32>
    %add3A_315 = arith.addf %add3A_314, %broadcast_in_dim3A_312 : vector<1x1xf32>
    %mul3A_316 = arith.constant 2.000000e+00 : f32
    %mul3A_317 = vector.broadcast %mul3A_316 : f32 to vector<1x1xf32>
    %mul3A_318 = arith.mulf %mul3A_317, %broadcast_in_dim3A_68 : vector<1x1xf32>
    %add3A_319 = arith.constant 1.000000e+00 : f32
    %add3A_320 = vector.broadcast %add3A_319 : f32 to vector<1x1xf32>
    %add3A_321 = arith.addf %mul3A_318, %add3A_320 : vector<1x1xf32>
    %sub3A_322 = arith.subf %add3A_321, %broadcast_in_dim3A_158 : vector<1x1xf32>
    %concatenate3A = tpu.concatenate %mul3A_243, %mul3A_264, %mul3A_285, %mul3A_306 in 1 : vector<1024x1xf32>, vector<1024x1xf32>, vector<1024x1xf32>, vector<1024x1xf32> -> vector<1024x4xf32>
    %swap3A_323 = arith.constant 0 : index
    %swap3A_324 = arith.constant 0 : index
    %swap3A_325 = arith.constant 0 : index
    %swap3A_326 = vector.load %arg6[%swap3A_323, %swap3A_324, %swap3A_325] : memref<1x1024x4xf32, #tpu.memory_space<vmem>>, vector<1x1024x4xf32>
    %swap3A_327 = vector.shape_cast %swap3A_326 : vector<1x1024x4xf32> to vector<1024x4xf32>
    %swap3A_328 = vector.shape_cast %concatenate3A : vector<1024x4xf32> to vector<1x1024x4xf32>
    tpu.vector_store %arg6[%swap3A_323, %swap3A_324, %swap3A_325], %swap3A_328 {strides = array<i32>} : memref<1x1024x4xf32, #tpu.memory_space<vmem>>, vector<1x1024x4xf32>,
    %concatenate3A_329 = tpu.concatenate %add3A_252, %add3A_273, %add3A_294, %add3A_315 in 0 : vector<1x1xf32>, vector<1x1xf32>, vector<1x1xf32>, vector<1x1xf32> -> vector<4x1xf32>
    %swap3A_330 = arith.constant 0 : index
    %swap3A_331 = arith.constant 0 : index
    %swap3A_332 = arith.constant 0 : index
    %swap3A_333 = vector.load %arg7[%swap3A_330, %swap3A_331, %swap3A_332] : memref<1x4x1xf32, #tpu.memory_space<vmem>>, vector<1x4x1xf32>
    %swap3A_334 = vector.shape_cast %swap3A_333 : vector<1x4x1xf32> to vector<4x1xf32>
    %swap3A_335 = vector.shape_cast %concatenate3A_329 : vector<4x1xf32> to vector<1x4x1xf32>
    tpu.vector_store %arg7[%swap3A_330, %swap3A_331, %swap3A_332], %swap3A_335 {strides = array<i32>} : memref<1x4x1xf32, #tpu.memory_space<vmem>>, vector<1x4x1xf32>,
    %concatenate3A_336 = tpu.concatenate %sub3A_259, %sub3A_280, %sub3A_301, %sub3A_322 in 1 : vector<1x1xf32>, vector<1x1xf32>, vector<1x1xf32>, vector<1x1xf32> -> vector<1x4xf32>
    %convert_element_type3A_337 = arith.fptosi %concatenate3A_336 : vector<1x4xf32> to vector<1x4xi32>
    %swap3A_338 = arith.constant 0 : index
    %swap3A_339 = arith.constant 0 : index
    %swap3A_340 = arith.constant 0 : index
    %swap3A_341 = vector.load %arg8[%swap3A_338, %swap3A_339, %swap3A_340] : memref<1x1x4xi32, #tpu.memory_space<vmem>>, vector<1x1x4xi32>
    %swap3A_342 = vector.shape_cast %swap3A_341 : vector<1x1x4xi32> to vector<1x4xi32>
    %swap3A_343 = vector.shape_cast %convert_element_type3A_337 : vector<1x4xi32> to vector<1x1x4xi32>
    tpu.vector_store %arg8[%swap3A_338, %swap3A_339, %swap3A_340], %swap3A_343 {strides = array<i32>} : memref<1x1x4xi32, #tpu.memory_space<vmem>>, vector<1x1x4xi32>,
    %convert_element_type3A_344 = arith.sitofp %arg0 : i32 to f32
    %mul3A_345 = arith.constant 2.048000e+03 : f32
    %mul3A_346 = arith.mulf %mul3A_345, %convert_element_type3A_344 : f32
    %mul3A_347 = arith.constant 2.000000e+00 : f32
    %mul3A_348 = vector.broadcast %mul3A_347 : f32 to vector<1x1xf32>
    %mul3A_349 = arith.mulf %mul3A_348, %broadcast_in_dim3A_55 : vector<1x1xf32>
    %add3A_350 = arith.constant 1.000000e+00 : f32
    %add3A_351 = vector.broadcast %add3A_350 : f32 to vector<1x1xf32>
    %add3A_352 = arith.addf %mul3A_349, %add3A_351 : vector<1x1xf32>
    %add3A_353 = vector.broadcast %mul3A_346 : f32 to vector<1x1xf32>
    %add3A_354 = arith.addf %add3A_352, %add3A_353 : vector<1x1xf32>
    %mul3A_355 = arith.constant 2.000000e+00 : f32
    %mul3A_356 = vector.broadcast %mul3A_355 : f32 to vector<1x1xf32>
    %mul3A_357 = arith.mulf %mul3A_356, %broadcast_in_dim3A_66 : vector<1x1xf32>
    %add3A_358 = arith.constant 1.000000e+00 : f32
    %add3A_359 = vector.broadcast %add3A_358 : f32 to vector<1x1xf32>
    %add3A_360 = arith.addf %mul3A_357, %add3A_359 : vector<1x1xf32>
    %add3A_361 = vector.broadcast %mul3A_346 : f32 to vector<1x1xf32>
    %add3A_362 = arith.addf %add3A_360, %add3A_361 : vector<1x1xf32>
    %mul3A_363 = arith.constant 2.000000e+00 : f32
    %mul3A_364 = vector.broadcast %mul3A_363 : f32 to vector<1x1xf32>
    %mul3A_365 = arith.mulf %mul3A_364, %broadcast_in_dim3A_68 : vector<1x1xf32>
    %add3A_366 = arith.constant 1.000000e+00 : f32
    %add3A_367 = vector.broadcast %add3A_366 : f32 to vector<1x1xf32>
    %add3A_368 = arith.addf %mul3A_365, %add3A_367 : vector<1x1xf32>
    %add3A_369 = vector.broadcast %mul3A_346 : f32 to vector<1x1xf32>
    %add3A_370 = arith.addf %add3A_368, %add3A_369 : vector<1x1xf32>
    %mul3A_371 = arith.constant 2.000000e+00 : f32
    %mul3A_372 = vector.broadcast %mul3A_371 : f32 to vector<1x1xf32>
    %mul3A_373 = arith.mulf %mul3A_372, %broadcast_in_dim3A_68 : vector<1x1xf32>
    %add3A_374 = arith.constant 1.000000e+00 : f32
    %add3A_375 = vector.broadcast %add3A_374 : f32 to vector<1x1xf32>
    %add3A_376 = arith.addf %mul3A_373, %add3A_375 : vector<1x1xf32>
    %add3A_377 = vector.broadcast %mul3A_346 : f32 to vector<1x1xf32>
    %add3A_378 = arith.addf %add3A_376, %add3A_377 : vector<1x1xf32>
    %concatenate3A_379 = tpu.concatenate %add3A_354, %add3A_362, %add3A_370, %add3A_378 in 1 : vector<1x1xf32>, vector<1x1xf32>, vector<1x1xf32>, vector<1x1xf32> -> vector<1x4xf32>
    %convert_element_type3A_380 = arith.fptosi %concatenate3A_379 : vector<1x4xf32> to vector<1x4xi32>
    %swap3A_381 = arith.constant 0 : index
    %swap3A_382 = arith.constant 0 : index
    %swap3A_383 = arith.constant 0 : index
    %swap3A_384 = vector.load %arg9[%swap3A_381, %swap3A_382, %swap3A_383] : memref<1x1x4xi32, #tpu.memory_space<vmem>>, vector<1x1x4xi32>
    %swap3A_385 = vector.shape_cast %swap3A_384 : vector<1x1x4xi32> to vector<1x4xi32>
    %swap3A_386 = vector.shape_cast %convert_element_type3A_380 : vector<1x4xi32> to vector<1x1x4xi32>
    tpu.vector_store %arg9[%swap3A_381, %swap3A_382, %swap3A_383], %swap3A_386 {strides = array<i32>} : memref<1x1x4xi32, #tpu.memory_space<vmem>>, vector<1x1x4xi32>,
    return
  }
  func.func @transform_0(%arg0: i32) -> (i32, i32, i32) {
    %c0_i32 = arith.constant 0 : i32
    %c0_i32_0 = arith.constant 0 : i32
    %c0_i32_1 = arith.constant 0 : i32
    return %arg0, %c0_i32, %c0_i32_0 : i32, i32, i32
  }
  func.func @transform_1(%arg0: i32) -> (i32, i32, i32) {
    %c0_i32 = arith.constant 0 : i32
    %c0_i32_0 = arith.constant 0 : i32
    %c0_i32_1 = arith.constant 0 : i32
    return %arg0, %c0_i32, %c0_i32_0 : i32, i32, i32
  }
  func.func @transform_2(%arg0: i32) -> (i32, i32, i32) {
    %c0_i32 = arith.constant 0 : i32
    %c0_i32_0 = arith.constant 0 : i32
    %c0_i32_1 = arith.constant 0 : i32
    return %arg0, %c0_i32, %c0_i32_0 : i32, i32, i32
  }
  func.func @transform_3(%arg0: i32) -> (i32, i32, i32) {
    %c0_i32 = arith.constant 0 : i32
    %c0_i32_0 = arith.constant 0 : i32
    %c0_i32_1 = arith.constant 0 : i32
    return %arg0, %c0_i32, %c0_i32_0 : i32, i32, i32
  }
  func.func @transform_4(%arg0: i32) -> (i32, i32, i32) {
    %c0_i32 = arith.constant 0 : i32
    %c0_i32_0 = arith.constant 0 : i32
    %c0_i32_1 = arith.constant 0 : i32
    return %arg0, %c0_i32, %c0_i32_0 : i32, i32, i32
  }
  func.func @transform_5(%arg0: i32) -> (i32, i32, i32) {
    %c0_i32 = arith.constant 0 : i32
    %c0_i32_0 = arith.constant 0 : i32
    %c0_i32_1 = arith.constant 0 : i32
    return %arg0, %c0_i32, %c0_i32_0 : i32, i32, i32
  }
  func.func @transform_6(%arg0: i32) -> (i32, i32, i32) {
    %c0_i32 = arith.constant 0 : i32
    %c0_i32_0 = arith.constant 0 : i32
    %c0_i32_1 = arith.constant 0 : i32
    return %arg0, %c0_i32, %c0_i32_0 : i32, i32, i32
  }
  func.func @transform_7(%arg0: i32) -> (i32, i32, i32) {
    %c0_i32 = arith.constant 0 : i32
    %c0_i32_0 = arith.constant 0 : i32
    %c0_i32_1 = arith.constant 0 : i32
    return %arg0, %c0_i32, %c0_i32_0 : i32, i32, i32
  }
  func.func @transform_8(%arg0: i32) -> (i32, i32, i32) {
    %c0_i32 = arith.constant 0 : i32
    %c0_i32_0 = arith.constant 0 : i32
    %c0_i32_1 = arith.constant 0 : i32
    return %arg0, %c0_i32, %c0_i32_0 : i32, i32, i32
  }
}

module attributes {stable_mosaic.version = 14 : i64} {
  func.func @_special_body(%arg0: i32, %arg1: memref<1x1024x512xf32, #tpu.memory_space<vmem>>, %arg2: memref<1x1024x512xf32, #tpu.memory_space<vmem>>, %arg3: memref<1x1024x4xf32, #tpu.memory_space<vmem>>, %arg4: memref<1x4x1xf32, #tpu.memory_space<vmem>>, %arg5: memref<1x4x512xf32, #tpu.memory_space<vmem>>, %arg6: memref<1x4x512xf32, #tpu.memory_space<vmem>>, %arg7: memref<1x4x1xf32, #tpu.memory_space<vmem>>) attributes {dimension_semantics = [#tpu.dimension_semantics<arbitrary>], iteration_bounds = array<i64: 16>, scalar_prefetch = 0 : i64, scratch_operands = 0 : i64, tpu.core_type = #tpu.core_type<tc>, window_params = [{transform_indices = @transform_0, window_bounds = array<i64: 1, 1024, 512>}, {transform_indices = @transform_1, window_bounds = array<i64: 1, 1024, 512>}, {transform_indices = @transform_2, window_bounds = array<i64: 1, 1024, 4>}, {transform_indices = @transform_3, window_bounds = array<i64: 1, 4, 1>}, {transform_indices = @transform_4, window_bounds = array<i64: 1, 4, 512>}, {transform_indices = @transform_5, window_bounds = array<i64: 1, 4, 512>}, {transform_indices = @transform_6, window_bounds = array<i64: 1, 4, 1>}]} {
    %get3A = arith.constant 0 : index
    %get3A_0 = arith.constant 0 : index
    %get3A_1 = arith.constant 0 : index
    %get3A_2 = vector.load %arg3[%get3A, %get3A_0, %get3A_1] : memref<1x1024x4xf32, #tpu.memory_space<vmem>>, vector<1x1024x4xf32>
    %get3A_3 = vector.shape_cast %get3A_2 : vector<1x1024x4xf32> to vector<1024x4xf32>
    %get3A_4 = arith.constant 0 : index
    %get3A_5 = arith.constant 0 : index
    %get3A_6 = arith.constant 0 : index
    %get3A_7 = vector.load %arg4[%get3A_4, %get3A_5, %get3A_6] : memref<1x4x1xf32, #tpu.memory_space<vmem>>, vector<1x4x1xf32>
    %get3A_8 = vector.shape_cast %get3A_7 : vector<1x4x1xf32> to vector<4x1xf32>
    %add3A = arith.constant 9.99999997E-7 : f32
    %add3A_9 = vector.broadcast %add3A : f32 to vector<4x1xf32>
    %add3A_10 = arith.addf %get3A_8, %add3A_9 : vector<4x1xf32>
    %div3A = arith.constant 1.000000e+00 : f32
    %div3A_11 = vector.broadcast %div3A : f32 to vector<4x1xf32>
    %div3A_12 = arith.divf %div3A_11, %add3A_10 : vector<4x1xf32>
    %get3A_13 = arith.constant 0 : index
    %get3A_14 = arith.constant 0 : index
    %get3A_15 = arith.constant 0 : index
    %get3A_16 = vector.load %arg1[%get3A_13, %get3A_14, %get3A_15] : memref<1x1024x512xf32, #tpu.memory_space<vmem>>, vector<1x1024x512xf32>
    %get3A_17 = vector.shape_cast %get3A_16 : vector<1x1024x512xf32> to vector<1024x512xf32>
    %slice3A = vector.extract_strided_slice %get3A_3 {offsets = [0, 0], sizes = [1024, 1], strides = [1, 1]} : vector<1024x4xf32> to vector<1024x1xf32>
    %mul3A = vector.broadcast %slice3A : vector<1024x1xf32> to vector<1024x512xf32>
    %mul3A_18 = arith.mulf %get3A_17, %mul3A : vector<1024x512xf32>
    %reduce_sum3A = arith.constant dense<0.000000e+00> : vector<512xf32>
    %reduce_sum3A_19 = vector.multi_reduction <add>, %mul3A_18, %reduce_sum3A [0] : vector<1024x512xf32> to vector<512xf32>
    %broadcast_in_dim3A = vector.shape_cast %reduce_sum3A_19 : vector<512xf32> to vector<1x512xf32>
    %slice3A_20 = vector.extract_strided_slice %get3A_3 {offsets = [0, 1], sizes = [1024, 1], strides = [1, 1]} : vector<1024x4xf32> to vector<1024x1xf32>
    %mul3A_21 = vector.broadcast %slice3A_20 : vector<1024x1xf32> to vector<1024x512xf32>
    %mul3A_22 = arith.mulf %get3A_17, %mul3A_21 : vector<1024x512xf32>
    %reduce_sum3A_23 = arith.constant dense<0.000000e+00> : vector<512xf32>
    %reduce_sum3A_24 = vector.multi_reduction <add>, %mul3A_22, %reduce_sum3A_23 [0] : vector<1024x512xf32> to vector<512xf32>
    %broadcast_in_dim3A_25 = vector.shape_cast %reduce_sum3A_24 : vector<512xf32> to vector<1x512xf32>
    %slice3A_26 = vector.extract_strided_slice %get3A_3 {offsets = [0, 2], sizes = [1024, 1], strides = [1, 1]} : vector<1024x4xf32> to vector<1024x1xf32>
    %mul3A_27 = vector.broadcast %slice3A_26 : vector<1024x1xf32> to vector<1024x512xf32>
    %mul3A_28 = arith.mulf %get3A_17, %mul3A_27 : vector<1024x512xf32>
    %reduce_sum3A_29 = arith.constant dense<0.000000e+00> : vector<512xf32>
    %reduce_sum3A_30 = vector.multi_reduction <add>, %mul3A_28, %reduce_sum3A_29 [0] : vector<1024x512xf32> to vector<512xf32>
    %broadcast_in_dim3A_31 = vector.shape_cast %reduce_sum3A_30 : vector<512xf32> to vector<1x512xf32>
    %slice3A_32 = vector.extract_strided_slice %get3A_3 {offsets = [0, 3], sizes = [1024, 1], strides = [1, 1]} : vector<1024x4xf32> to vector<1024x1xf32>
    %mul3A_33 = vector.broadcast %slice3A_32 : vector<1024x1xf32> to vector<1024x512xf32>
    %mul3A_34 = arith.mulf %get3A_17, %mul3A_33 : vector<1024x512xf32>
    %reduce_sum3A_35 = arith.constant dense<0.000000e+00> : vector<512xf32>
    %reduce_sum3A_36 = vector.multi_reduction <add>, %mul3A_34, %reduce_sum3A_35 [0] : vector<1024x512xf32> to vector<512xf32>
    %broadcast_in_dim3A_37 = vector.shape_cast %reduce_sum3A_36 : vector<512xf32> to vector<1x512xf32>
    %concatenate3A = tpu.concatenate %broadcast_in_dim3A, %broadcast_in_dim3A_25, %broadcast_in_dim3A_31, %broadcast_in_dim3A_37 in 0 : vector<1x512xf32>, vector<1x512xf32>, vector<1x512xf32>, vector<1x512xf32> -> vector<4x512xf32>
    %mul3A_38 = vector.broadcast %div3A_12 : vector<4x1xf32> to vector<4x512xf32>
    %mul3A_39 = arith.mulf %concatenate3A, %mul3A_38 : vector<4x512xf32>
    %swap3A = arith.constant 0 : index
    %swap3A_40 = arith.constant 0 : index
    %swap3A_41 = arith.constant 0 : index
    %swap3A_42 = vector.load %arg5[%swap3A, %swap3A_40, %swap3A_41] : memref<1x4x512xf32, #tpu.memory_space<vmem>>, vector<1x4x512xf32>
    %swap3A_43 = vector.shape_cast %swap3A_42 : vector<1x4x512xf32> to vector<4x512xf32>
    %swap3A_44 = vector.shape_cast %mul3A_39 : vector<4x512xf32> to vector<1x4x512xf32>
    tpu.vector_store %arg5[%swap3A, %swap3A_40, %swap3A_41], %swap3A_44 {strides = array<i32>} : memref<1x4x512xf32, #tpu.memory_space<vmem>>, vector<1x4x512xf32>,
    %get3A_45 = arith.constant 0 : index
    %get3A_46 = arith.constant 0 : index
    %get3A_47 = arith.constant 0 : index
    %get3A_48 = vector.load %arg2[%get3A_45, %get3A_46, %get3A_47] : memref<1x1024x512xf32, #tpu.memory_space<vmem>>, vector<1x1024x512xf32>
    %get3A_49 = vector.shape_cast %get3A_48 : vector<1x1024x512xf32> to vector<1024x512xf32>
    %slice3A_50 = vector.extract_strided_slice %get3A_3 {offsets = [0, 0], sizes = [1024, 1], strides = [1, 1]} : vector<1024x4xf32> to vector<1024x1xf32>
    %mul3A_51 = vector.broadcast %slice3A_50 : vector<1024x1xf32> to vector<1024x512xf32>
    %mul3A_52 = arith.mulf %get3A_49, %mul3A_51 : vector<1024x512xf32>
    %reduce_sum3A_53 = arith.constant dense<0.000000e+00> : vector<512xf32>
    %reduce_sum3A_54 = vector.multi_reduction <add>, %mul3A_52, %reduce_sum3A_53 [0] : vector<1024x512xf32> to vector<512xf32>
    %broadcast_in_dim3A_55 = vector.shape_cast %reduce_sum3A_54 : vector<512xf32> to vector<1x512xf32>
    %slice3A_56 = vector.extract_strided_slice %get3A_3 {offsets = [0, 1], sizes = [1024, 1], strides = [1, 1]} : vector<1024x4xf32> to vector<1024x1xf32>
    %mul3A_57 = vector.broadcast %slice3A_56 : vector<1024x1xf32> to vector<1024x512xf32>
    %mul3A_58 = arith.mulf %get3A_49, %mul3A_57 : vector<1024x512xf32>
    %reduce_sum3A_59 = arith.constant dense<0.000000e+00> : vector<512xf32>
    %reduce_sum3A_60 = vector.multi_reduction <add>, %mul3A_58, %reduce_sum3A_59 [0] : vector<1024x512xf32> to vector<512xf32>
    %broadcast_in_dim3A_61 = vector.shape_cast %reduce_sum3A_60 : vector<512xf32> to vector<1x512xf32>
    %slice3A_62 = vector.extract_strided_slice %get3A_3 {offsets = [0, 2], sizes = [1024, 1], strides = [1, 1]} : vector<1024x4xf32> to vector<1024x1xf32>
    %mul3A_63 = vector.broadcast %slice3A_62 : vector<1024x1xf32> to vector<1024x512xf32>
    %mul3A_64 = arith.mulf %get3A_49, %mul3A_63 : vector<1024x512xf32>
    %reduce_sum3A_65 = arith.constant dense<0.000000e+00> : vector<512xf32>
    %reduce_sum3A_66 = vector.multi_reduction <add>, %mul3A_64, %reduce_sum3A_65 [0] : vector<1024x512xf32> to vector<512xf32>
    %broadcast_in_dim3A_67 = vector.shape_cast %reduce_sum3A_66 : vector<512xf32> to vector<1x512xf32>
    %slice3A_68 = vector.extract_strided_slice %get3A_3 {offsets = [0, 3], sizes = [1024, 1], strides = [1, 1]} : vector<1024x4xf32> to vector<1024x1xf32>
    %mul3A_69 = vector.broadcast %slice3A_68 : vector<1024x1xf32> to vector<1024x512xf32>
    %mul3A_70 = arith.mulf %get3A_49, %mul3A_69 : vector<1024x512xf32>
    %reduce_sum3A_71 = arith.constant dense<0.000000e+00> : vector<512xf32>
    %reduce_sum3A_72 = vector.multi_reduction <add>, %mul3A_70, %reduce_sum3A_71 [0] : vector<1024x512xf32> to vector<512xf32>
    %broadcast_in_dim3A_73 = vector.shape_cast %reduce_sum3A_72 : vector<512xf32> to vector<1x512xf32>
    %concatenate3A_74 = tpu.concatenate %broadcast_in_dim3A_55, %broadcast_in_dim3A_61, %broadcast_in_dim3A_67, %broadcast_in_dim3A_73 in 0 : vector<1x512xf32>, vector<1x512xf32>, vector<1x512xf32>, vector<1x512xf32> -> vector<4x512xf32>
    %mul3A_75 = vector.broadcast %div3A_12 : vector<4x1xf32> to vector<4x512xf32>
    %mul3A_76 = arith.mulf %concatenate3A_74, %mul3A_75 : vector<4x512xf32>
    %swap3A_77 = arith.constant 0 : index
    %swap3A_78 = arith.constant 0 : index
    %swap3A_79 = arith.constant 0 : index
    %swap3A_80 = vector.load %arg6[%swap3A_77, %swap3A_78, %swap3A_79] : memref<1x4x512xf32, #tpu.memory_space<vmem>>, vector<1x4x512xf32>
    %swap3A_81 = vector.shape_cast %swap3A_80 : vector<1x4x512xf32> to vector<4x512xf32>
    %swap3A_82 = vector.shape_cast %mul3A_76 : vector<4x512xf32> to vector<1x4x512xf32>
    tpu.vector_store %arg6[%swap3A_77, %swap3A_78, %swap3A_79], %swap3A_82 {strides = array<i32>} : memref<1x4x512xf32, #tpu.memory_space<vmem>>, vector<1x4x512xf32>,
    %swap3A_83 = arith.constant 0 : index
    %swap3A_84 = arith.constant 0 : index
    %swap3A_85 = arith.constant 0 : index
    %swap3A_86 = vector.load %arg7[%swap3A_83, %swap3A_84, %swap3A_85] : memref<1x4x1xf32, #tpu.memory_space<vmem>>, vector<1x4x1xf32>
    %swap3A_87 = vector.shape_cast %swap3A_86 : vector<1x4x1xf32> to vector<4x1xf32>
    %swap3A_88 = vector.shape_cast %div3A_12 : vector<4x1xf32> to vector<1x4x1xf32>
    tpu.vector_store %arg7[%swap3A_83, %swap3A_84, %swap3A_85], %swap3A_88 {strides = array<i32>} : memref<1x4x1xf32, #tpu.memory_space<vmem>>, vector<1x4x1xf32>,
    return
  }
  func.func @transform_0(%arg0: i32) -> (i32, i32, i32) {
    %c0_i32 = arith.constant 0 : i32
    %c0_i32_0 = arith.constant 0 : i32
    %c0_i32_1 = arith.constant 0 : i32
    return %arg0, %c0_i32, %c0_i32_0 : i32, i32, i32
  }
  func.func @transform_1(%arg0: i32) -> (i32, i32, i32) {
    %c0_i32 = arith.constant 0 : i32
    %c0_i32_0 = arith.constant 0 : i32
    %c0_i32_1 = arith.constant 0 : i32
    return %arg0, %c0_i32, %c0_i32_0 : i32, i32, i32
  }
  func.func @transform_2(%arg0: i32) -> (i32, i32, i32) {
    %c0_i32 = arith.constant 0 : i32
    %c0_i32_0 = arith.constant 0 : i32
    %c0_i32_1 = arith.constant 0 : i32
    return %arg0, %c0_i32, %c0_i32_0 : i32, i32, i32
  }
  func.func @transform_3(%arg0: i32) -> (i32, i32, i32) {
    %c0_i32 = arith.constant 0 : i32
    %c0_i32_0 = arith.constant 0 : i32
    %c0_i32_1 = arith.constant 0 : i32
    return %arg0, %c0_i32, %c0_i32_0 : i32, i32, i32
  }
  func.func @transform_4(%arg0: i32) -> (i32, i32, i32) {
    %c0_i32 = arith.constant 0 : i32
    %c0_i32_0 = arith.constant 0 : i32
    %c0_i32_1 = arith.constant 0 : i32
    return %arg0, %c0_i32, %c0_i32_0 : i32, i32, i32
  }
  func.func @transform_5(%arg0: i32) -> (i32, i32, i32) {
    %c0_i32 = arith.constant 0 : i32
    %c0_i32_0 = arith.constant 0 : i32
    %c0_i32_1 = arith.constant 0 : i32
    return %arg0, %c0_i32, %c0_i32_0 : i32, i32, i32
  }
  func.func @transform_6(%arg0: i32) -> (i32, i32, i32) {
    %c0_i32 = arith.constant 0 : i32
    %c0_i32_0 = arith.constant 0 : i32
    %c0_i32_1 = arith.constant 0 : i32
    return %arg0, %c0_i32, %c0_i32_0 : i32, i32, i32
  }
}

module attributes {stable_mosaic.version = 14 : i64} {
  func.func @_overwrite_body(%arg0: i32, %arg1: memref<64xi32, #tpu.memory_space<smem>>, %arg2: memref<64xi32, #tpu.memory_space<smem>>, %arg3: memref<16x1434x512xf32, #tpu.memory_space<hbm>>, %arg4: memref<16x1434x512xf32, #tpu.memory_space<hbm>>, %arg5: memref<32768x512xf32, #tpu.memory_space<hbm>>, %arg6: memref<32768x512xf32, #tpu.memory_space<hbm>>, %arg7: memref<64x512xf32, #tpu.memory_space<vmem>>, %arg8: memref<64x512xf32, #tpu.memory_space<vmem>>, %arg9: memref<64x1xf32, #tpu.memory_space<vmem>>, %arg10: memref<16x1434x512xf32, #tpu.memory_space<hbm>>, %arg11: memref<16x1434x512xf32, #tpu.memory_space<hbm>>, %arg12: memref<64x512xf32, #tpu.memory_space<vmem>>, %arg13: memref<64x512xf32, #tpu.memory_space<vmem>>, %arg14: memref<64x512xf32, #tpu.memory_space<vmem>>, %arg15: memref<64x512xf32, #tpu.memory_space<vmem>>, %arg16: memref<!tpu.dma_semaphore, #tpu.memory_space<semaphore_mem>>, %arg17: memref<!tpu.dma_semaphore, #tpu.memory_space<semaphore_mem>>, %arg18: memref<!tpu.dma_semaphore, #tpu.memory_space<semaphore_mem>>, %arg19: memref<!tpu.dma_semaphore, #tpu.memory_space<semaphore_mem>>) attributes {dimension_semantics = [#tpu.dimension_semantics<arbitrary>], iteration_bounds = array<i64: 1>, scalar_prefetch = 2 : i64, scratch_operands = 8 : i64, tpu.core_type = #tpu.core_type<tc>, window_params = [{}, {}, {}, {}, {pipeline_mode = #tpu.pipeline_mode<synchronous>, transform_indices = @transform_4, window_bounds = array<i64: 64, 512>}, {pipeline_mode = #tpu.pipeline_mode<synchronous>, transform_indices = @transform_5, window_bounds = array<i64: 64, 512>}, {pipeline_mode = #tpu.pipeline_mode<synchronous>, transform_indices = @transform_6, window_bounds = array<i64: 64, 1>}, {}, {}]} {
    %scan3A = arith.constant 0 : i32
    %scan3A_0 = arith.constant 64 : i32
    %scan3A_1 = arith.addi %scan3A, %scan3A_0 : i32
    %scan3A_2 = arith.constant 1 : i32
    scf.for %scan3A_43 = %scan3A to %scan3A_1 step %scan3A_2  : i32 {
      %get3A_44 = arith.index_cast %scan3A_43 : i32 to index
      %get3A_45 = memref.load %arg2[%get3A_44] : memref<64xi32, #tpu.memory_space<smem>>
      %dma_start3A = arith.constant 0 : i32
      %dma_start3A_46 = tpu.memref_slice %arg12[%scan3A_43, %dma_start3A] : memref<64x512xf32, #tpu.memory_space<vmem>> -> memref<1x512xf32, #tpu.memory_space<vmem>>
      %dma_start3A_47 = tpu.memref_squeeze %dma_start3A_46 : memref<1x512xf32, #tpu.memory_space<vmem>> -> memref<512xf32, #tpu.memory_space<vmem>>
      %dma_start3A_48 = arith.constant 0 : i32
      %dma_start3A_49 = tpu.memref_slice %arg5[%get3A_45, %dma_start3A_48] : memref<32768x512xf32, #tpu.memory_space<hbm>> -> memref<1x512xf32, #tpu.memory_space<hbm>>
      %dma_start3A_50 = tpu.memref_squeeze %dma_start3A_49 : memref<1x512xf32, #tpu.memory_space<hbm>> -> memref<512xf32, #tpu.memory_space<hbm>>
      tpu.enqueue_dma source(%dma_start3A_50 : memref<512xf32, #tpu.memory_space<hbm>>) target(%dma_start3A_47 : memref<512xf32, #tpu.memory_space<vmem>>) target_semaphore(%arg16 : memref<!tpu.dma_semaphore, #tpu.memory_space<semaphore_mem>>)
      %dma_start3A_51 = arith.constant 0 : i32
      %dma_start3A_52 = tpu.memref_slice %arg13[%scan3A_43, %dma_start3A_51] : memref<64x512xf32, #tpu.memory_space<vmem>> -> memref<1x512xf32, #tpu.memory_space<vmem>>
      %dma_start3A_53 = tpu.memref_squeeze %dma_start3A_52 : memref<1x512xf32, #tpu.memory_space<vmem>> -> memref<512xf32, #tpu.memory_space<vmem>>
      %dma_start3A_54 = arith.constant 0 : i32
      %dma_start3A_55 = tpu.memref_slice %arg6[%get3A_45, %dma_start3A_54] : memref<32768x512xf32, #tpu.memory_space<hbm>> -> memref<1x512xf32, #tpu.memory_space<hbm>>
      %dma_start3A_56 = tpu.memref_squeeze %dma_start3A_55 : memref<1x512xf32, #tpu.memory_space<hbm>> -> memref<512xf32, #tpu.memory_space<hbm>>
      tpu.enqueue_dma source(%dma_start3A_56 : memref<512xf32, #tpu.memory_space<hbm>>) target(%dma_start3A_53 : memref<512xf32, #tpu.memory_space<vmem>>) target_semaphore(%arg17 : memref<!tpu.dma_semaphore, #tpu.memory_space<semaphore_mem>>)
    }
    %scan3A_3 = arith.constant 64 : i32
    %scan3A_4 = arith.constant 0 : i32
    %scan3A_5 = arith.constant 64 : i32
    %scan3A_6 = arith.addi %scan3A_4, %scan3A_5 : i32
    %scan3A_7 = arith.constant 1 : i32
    scf.for %scan3A_43 = %scan3A_4 to %scan3A_6 step %scan3A_7  : i32 {
      %dma_wait3A = arith.constant 0 : i32
      %dma_wait3A_44 = arith.constant 0 : i32
      %dma_wait3A_45 = arith.constant 0 : i32
      %dma_wait3A_46 = tpu.memref_slice %arg12[%dma_wait3A_44, %dma_wait3A_45] : memref<64x512xf32, #tpu.memory_space<vmem>> -> memref<1x512xf32, #tpu.memory_space<vmem>>
      %dma_wait3A_47 = tpu.memref_squeeze %dma_wait3A_46 : memref<1x512xf32, #tpu.memory_space<vmem>> -> memref<512xf32, #tpu.memory_space<vmem>>
      %dma_wait3A_48 = arith.constant 0 : i32
      %dma_wait3A_49 = tpu.memref_slice %arg5[%dma_wait3A, %dma_wait3A_48] : memref<32768x512xf32, #tpu.memory_space<hbm>> -> memref<1x512xf32, #tpu.memory_space<hbm>>
      %dma_wait3A_50 = tpu.memref_squeeze %dma_wait3A_49 : memref<1x512xf32, #tpu.memory_space<hbm>> -> memref<512xf32, #tpu.memory_space<hbm>>
      tpu.wait_dma2 semaphore(%arg16 : memref<!tpu.dma_semaphore, #tpu.memory_space<semaphore_mem>>) src(%dma_wait3A_50 : memref<512xf32, #tpu.memory_space<hbm>>) dst(%dma_wait3A_47 : memref<512xf32, #tpu.memory_space<vmem>>)
      %dma_wait3A_51 = arith.constant 0 : i32
      %dma_wait3A_52 = arith.constant 0 : i32
      %dma_wait3A_53 = arith.constant 0 : i32
      %dma_wait3A_54 = tpu.memref_slice %arg13[%dma_wait3A_52, %dma_wait3A_53] : memref<64x512xf32, #tpu.memory_space<vmem>> -> memref<1x512xf32, #tpu.memory_space<vmem>>
      %dma_wait3A_55 = tpu.memref_squeeze %dma_wait3A_54 : memref<1x512xf32, #tpu.memory_space<vmem>> -> memref<512xf32, #tpu.memory_space<vmem>>
      %dma_wait3A_56 = arith.constant 0 : i32
      %dma_wait3A_57 = tpu.memref_slice %arg6[%dma_wait3A_51, %dma_wait3A_56] : memref<32768x512xf32, #tpu.memory_space<hbm>> -> memref<1x512xf32, #tpu.memory_space<hbm>>
      %dma_wait3A_58 = tpu.memref_squeeze %dma_wait3A_57 : memref<1x512xf32, #tpu.memory_space<hbm>> -> memref<512xf32, #tpu.memory_space<hbm>>
      tpu.wait_dma2 semaphore(%arg17 : memref<!tpu.dma_semaphore, #tpu.memory_space<semaphore_mem>>) src(%dma_wait3A_58 : memref<512xf32, #tpu.memory_space<hbm>>) dst(%dma_wait3A_55 : memref<512xf32, #tpu.memory_space<vmem>>)
    }
    %get3A = arith.constant 0 : index
    %get3A_8 = arith.constant 0 : index
    %get3A_9 = vector.load %arg12[%get3A, %get3A_8] : memref<64x512xf32, #tpu.memory_space<vmem>>, vector<64x512xf32>
    %get3A_10 = arith.constant 0 : index
    %get3A_11 = arith.constant 0 : index
    %get3A_12 = vector.load %arg9[%get3A_10, %get3A_11] : memref<64x1xf32, #tpu.memory_space<vmem>>, vector<64x1xf32>
    %mul3A = vector.broadcast %get3A_12 : vector<64x1xf32> to vector<64x512xf32>
    %mul3A_13 = arith.mulf %get3A_9, %mul3A : vector<64x512xf32>
    %get3A_14 = arith.constant 0 : index
    %get3A_15 = arith.constant 0 : index
    %get3A_16 = vector.load %arg7[%get3A_14, %get3A_15] : memref<64x512xf32, #tpu.memory_space<vmem>>, vector<64x512xf32>
    %add3A = arith.addf %mul3A_13, %get3A_16 : vector<64x512xf32>
    %swap3A = arith.constant 0 : index
    %swap3A_17 = arith.constant 0 : index
    %swap3A_18 = vector.load %arg14[%swap3A, %swap3A_17] : memref<64x512xf32, #tpu.memory_space<vmem>>, vector<64x512xf32>
    tpu.vector_store %arg14[%swap3A, %swap3A_17], %add3A {strides = array<i32>} : memref<64x512xf32, #tpu.memory_space<vmem>>, vector<64x512xf32>,
    %get3A_19 = arith.constant 0 : index
    %get3A_20 = arith.constant 0 : index
    %get3A_21 = vector.load %arg13[%get3A_19, %get3A_20] : memref<64x512xf32, #tpu.memory_space<vmem>>, vector<64x512xf32>
    %get3A_22 = arith.constant 0 : index
    %get3A_23 = arith.constant 0 : index
    %get3A_24 = vector.load %arg9[%get3A_22, %get3A_23] : memref<64x1xf32, #tpu.memory_space<vmem>>, vector<64x1xf32>
    %mul3A_25 = vector.broadcast %get3A_24 : vector<64x1xf32> to vector<64x512xf32>
    %mul3A_26 = arith.mulf %get3A_21, %mul3A_25 : vector<64x512xf32>
    %get3A_27 = arith.constant 0 : index
    %get3A_28 = arith.constant 0 : index
    %get3A_29 = vector.load %arg8[%get3A_27, %get3A_28] : memref<64x512xf32, #tpu.memory_space<vmem>>, vector<64x512xf32>
    %add3A_30 = arith.addf %mul3A_26, %get3A_29 : vector<64x512xf32>
    %swap3A_31 = arith.constant 0 : index
    %swap3A_32 = arith.constant 0 : index
    %swap3A_33 = vector.load %arg15[%swap3A_31, %swap3A_32] : memref<64x512xf32, #tpu.memory_space<vmem>>, vector<64x512xf32>
    tpu.vector_store %arg15[%swap3A_31, %swap3A_32], %add3A_30 {strides = array<i32>} : memref<64x512xf32, #tpu.memory_space<vmem>>, vector<64x512xf32>,
    %scan3A_34 = arith.constant 0 : i32
    %scan3A_35 = arith.constant 64 : i32
    %scan3A_36 = arith.addi %scan3A_34, %scan3A_35 : i32
    %scan3A_37 = arith.constant 1 : i32
    scf.for %scan3A_43 = %scan3A_34 to %scan3A_36 step %scan3A_37  : i32 {
      %jit3A = arith.constant 4 : i32
      %div3A = arith.divsi %scan3A_43, %jit3A : i32
      %sign3A = arith.constant 0 : i32
      %sign3A_44 = arith.cmpi sgt, %scan3A_43, %sign3A : i32
      %sign3A_45 = arith.extui %sign3A_44 : i1 to i32
      %sign3A_46 = arith.constant 0 : i32
      %sign3A_47 = arith.cmpi slt, %scan3A_43, %sign3A_46 : i32
      %sign3A_48 = arith.extui %sign3A_47 : i1 to i32
      %sign3A_49 = arith.subi %sign3A_45, %sign3A_48 : i32
      %sign3A_50 = arith.constant 0 : i32
      %sign3A_51 = arith.cmpi sgt, %jit3A, %sign3A_50 : i32
      %sign3A_52 = arith.extui %sign3A_51 : i1 to i32
      %sign3A_53 = arith.constant 0 : i32
      %sign3A_54 = arith.cmpi slt, %jit3A, %sign3A_53 : i32
      %sign3A_55 = arith.extui %sign3A_54 : i1 to i32
      %sign3A_56 = arith.subi %sign3A_52, %sign3A_55 : i32
      %ne3A = arith.cmpi ne, %sign3A_49, %sign3A_56 : i32
      %rem3A = arith.remsi %scan3A_43, %jit3A : i32
      %ne3A_57 = arith.constant 0 : i32
      %ne3A_58 = arith.cmpi ne, %rem3A, %ne3A_57 : i32
      %and3A = arith.andi %ne3A, %ne3A_58 : i1
      %sub3A = arith.constant 1 : i32
      %sub3A_59 = arith.subi %div3A, %sub3A : i32
      %select_n3A = arith.select %and3A, %sub3A_59, %div3A : i32
      %get3A_60 = arith.index_cast %scan3A_43 : i32 to index
      %get3A_61 = memref.load %arg1[%get3A_60] : memref<64xi32, #tpu.memory_space<smem>>
      %dma_start3A = arith.constant 0 : i32
      %dma_start3A_62 = tpu.memref_slice %arg10[%select_n3A, %get3A_61, %dma_start3A] : memref<16x1434x512xf32, #tpu.memory_space<hbm>> -> memref<1x1x512xf32, #tpu.memory_space<hbm>>
      %dma_start3A_63 = tpu.memref_squeeze %dma_start3A_62 : memref<1x1x512xf32, #tpu.memory_space<hbm>> -> memref<512xf32, #tpu.memory_space<hbm>>
      %dma_start3A_64 = arith.constant 0 : i32
      %dma_start3A_65 = tpu.memref_slice %arg14[%scan3A_43, %dma_start3A_64] : memref<64x512xf32, #tpu.memory_space<vmem>> -> memref<1x512xf32, #tpu.memory_space<vmem>>
      %dma_start3A_66 = tpu.memref_squeeze %dma_start3A_65 : memref<1x512xf32, #tpu.memory_space<vmem>> -> memref<512xf32, #tpu.memory_space<vmem>>
      tpu.enqueue_dma source(%dma_start3A_66 : memref<512xf32, #tpu.memory_space<vmem>>) target(%dma_start3A_63 : memref<512xf32, #tpu.memory_space<hbm>>) target_semaphore(%arg18 : memref<!tpu.dma_semaphore, #tpu.memory_space<semaphore_mem>>)
      %dma_start3A_67 = arith.constant 0 : i32
      %dma_start3A_68 = tpu.memref_slice %arg11[%select_n3A, %get3A_61, %dma_start3A_67] : memref<16x1434x512xf32, #tpu.memory_space<hbm>> -> memref<1x1x512xf32, #tpu.memory_space<hbm>>
      %dma_start3A_69 = tpu.memref_squeeze %dma_start3A_68 : memref<1x1x512xf32, #tpu.memory_space<hbm>> -> memref<512xf32, #tpu.memory_space<hbm>>
      %dma_start3A_70 = arith.constant 0 : i32
      %dma_start3A_71 = tpu.memref_slice %arg15[%scan3A_43, %dma_start3A_70] : memref<64x512xf32, #tpu.memory_space<vmem>> -> memref<1x512xf32, #tpu.memory_space<vmem>>
      %dma_start3A_72 = tpu.memref_squeeze %dma_start3A_71 : memref<1x512xf32, #tpu.memory_space<vmem>> -> memref<512xf32, #tpu.memory_space<vmem>>
      tpu.enqueue_dma source(%dma_start3A_72 : memref<512xf32, #tpu.memory_space<vmem>>) target(%dma_start3A_69 : memref<512xf32, #tpu.memory_space<hbm>>) target_semaphore(%arg19 : memref<!tpu.dma_semaphore, #tpu.memory_space<semaphore_mem>>)
    }
    %scan3A_38 = arith.constant 64 : i32
    %scan3A_39 = arith.constant 0 : i32
    %scan3A_40 = arith.constant 64 : i32
    %scan3A_41 = arith.addi %scan3A_39, %scan3A_40 : i32
    %scan3A_42 = arith.constant 1 : i32
    scf.for %scan3A_43 = %scan3A_39 to %scan3A_41 step %scan3A_42  : i32 {
      %dma_wait3A = arith.constant 0 : i32
      %dma_wait3A_44 = arith.constant 0 : i32
      %dma_wait3A_45 = arith.constant 0 : i32
      %dma_wait3A_46 = arith.constant 0 : i32
      %dma_wait3A_47 = tpu.memref_slice %arg10[%dma_wait3A_44, %dma_wait3A_45, %dma_wait3A_46] : memref<16x1434x512xf32, #tpu.memory_space<hbm>> -> memref<1x1x512xf32, #tpu.memory_space<hbm>>
      %dma_wait3A_48 = tpu.memref_squeeze %dma_wait3A_47 : memref<1x1x512xf32, #tpu.memory_space<hbm>> -> memref<512xf32, #tpu.memory_space<hbm>>
      %dma_wait3A_49 = arith.constant 0 : i32
      %dma_wait3A_50 = tpu.memref_slice %arg14[%dma_wait3A, %dma_wait3A_49] : memref<64x512xf32, #tpu.memory_space<vmem>> -> memref<1x512xf32, #tpu.memory_space<vmem>>
      %dma_wait3A_51 = tpu.memref_squeeze %dma_wait3A_50 : memref<1x512xf32, #tpu.memory_space<vmem>> -> memref<512xf32, #tpu.memory_space<vmem>>
      tpu.wait_dma2 semaphore(%arg18 : memref<!tpu.dma_semaphore, #tpu.memory_space<semaphore_mem>>) src(%dma_wait3A_51 : memref<512xf32, #tpu.memory_space<vmem>>) dst(%dma_wait3A_48 : memref<512xf32, #tpu.memory_space<hbm>>)
      %dma_wait3A_52 = arith.constant 0 : i32
      %dma_wait3A_53 = arith.constant 0 : i32
      %dma_wait3A_54 = arith.constant 0 : i32
      %dma_wait3A_55 = arith.constant 0 : i32
      %dma_wait3A_56 = tpu.memref_slice %arg11[%dma_wait3A_53, %dma_wait3A_54, %dma_wait3A_55] : memref<16x1434x512xf32, #tpu.memory_space<hbm>> -> memref<1x1x512xf32, #tpu.memory_space<hbm>>
      %dma_wait3A_57 = tpu.memref_squeeze %dma_wait3A_56 : memref<1x1x512xf32, #tpu.memory_space<hbm>> -> memref<512xf32, #tpu.memory_space<hbm>>
      %dma_wait3A_58 = arith.constant 0 : i32
      %dma_wait3A_59 = tpu.memref_slice %arg15[%dma_wait3A_52, %dma_wait3A_58] : memref<64x512xf32, #tpu.memory_space<vmem>> -> memref<1x512xf32, #tpu.memory_space<vmem>>
      %dma_wait3A_60 = tpu.memref_squeeze %dma_wait3A_59 : memref<1x512xf32, #tpu.memory_space<vmem>> -> memref<512xf32, #tpu.memory_space<vmem>>
      tpu.wait_dma2 semaphore(%arg19 : memref<!tpu.dma_semaphore, #tpu.memory_space<semaphore_mem>>) src(%dma_wait3A_60 : memref<512xf32, #tpu.memory_space<vmem>>) dst(%dma_wait3A_57 : memref<512xf32, #tpu.memory_space<hbm>>)
    }
    return
  }
  func.func @transform_4(%arg0: i32, %arg1: memref<64xi32, #tpu.memory_space<smem>>, %arg2: memref<64xi32, #tpu.memory_space<smem>>) -> (i32, i32) {
    %c0_i32 = arith.constant 0 : i32
    %c0_i32_0 = arith.constant 0 : i32
    %c0_i32_1 = arith.constant 0 : i32
    return %c0_i32, %c0_i32_0 : i32, i32
  }
  func.func @transform_5(%arg0: i32, %arg1: memref<64xi32, #tpu.memory_space<smem>>, %arg2: memref<64xi32, #tpu.memory_space<smem>>) -> (i32, i32) {
    %c0_i32 = arith.constant 0 : i32
    %c0_i32_0 = arith.constant 0 : i32
    %c0_i32_1 = arith.constant 0 : i32
    return %c0_i32, %c0_i32_0 : i32, i32
  }
  func.func @transform_6(%arg0: i32, %arg1: memref<64xi32, #tpu.memory_space<smem>>, %arg2: memref<64xi32, #tpu.memory_space<smem>>) -> (i32, i32) {
    %c0_i32 = arith.constant 0 : i32
    %c0_i32_0 = arith.constant 0 : i32
    %c0_i32_1 = arith.constant 0 : i32
    return %c0_i32, %c0_i32_0 : i32, i32
  }
}

</mosaic_0001>

<sc_bundles>
// kernel: kernel.7.cloned.1.call-start
scs
__scs_entry_jumppad:
0x0: {  	(pc) =	sbr.rel $0x88, $3  }
0x1: {  	(tag) =	ssettag $0x0;
	lr =	simm.s32 $0x1  }
0x2: {  	[smem:$0x3F9F] =	sst lr;
	_ =	strace $0xD0000000  }
0x3: {  	_ = 	snop  }
0x4: {  	_ = 	snop  }
0x5: {  	_ = 	snop  }
0x6: {  	_ = 	snop  }
0x7: {  	_ = 	snop  }
__scs_overlays_trampoline_lowered:
0x8: {  	[smem:$0x3FAE] =	sst s0  }
0x9: {  	[smem:$0x3FAF] =	sst s1  }
0xa: {  	[smem:$0x3FB0] =	sst s2  }
0xb: {  	[smem:$0x3FB1] =	sst s3  }
0xc: {  	[smem:$0x3FB2] =	sst s4  }
0xd: {  	[smem:$0x3FB3] =	sst s5  }
0xe: {  	[smem:$0x3FB4] =	sst s6  }
0xf: {  	[smem:$0x3FB5] =	sst s7  }
0x10: {  	[smem:$0x3FB6] =	sst s8  }
0x11: {  	[smem:$0x3FB7] =	sst s9;
	s0 =	simm.s32 @!p0 $0x0  }
0x12: {  	s1 =	sld [smem:$0x3F9D];
	s0 =	simm.s32 @p0 $0x1  }
0x13: {  	[smem:$0x3FB8] =	sst s0;
	s0 =	simm.s32 @!p1 $0x0  }
0x14: {  	s2 =	sld [smem:$0x3F9C];
	s0 =	simm.s32 @p1 $0x1  }
0x15: {  	[smem:$0x3FB9] =	sst s0;
	s0 =	simm.s32 @!p2 $0x0  }
0x16: {  	s3 =	sld [smem:$0x3FDB];
	s0 =	simm.s32 @p2 $0x1  }
0x17: {  	s4 =	simm.s32 $0x1BF5;
	[smem:$0x3FBB] =	sst s0  }
0x18: {  	s0 =	sld [smem:$0x3F9E];
	_ =	swait.ge [sflag:s4], $0x0  }
0x19: {  	s7 =	sld [smem:$0x3F9F]  }
0x1a: {  	s8 =	sadd.s32 $0xFFFFE003, lr  }
0x1b: {  	s9 =	sadd.s32 $0xFFFFFEF7, lr;
	s5 =	simm.s32 $0xFFFFFFFF;
	p2 =	slt.u32 s8, $0xFFFFF086  }
0x1c: {  	p1 =	slt.u32 s9, $0xF7A;
	s5 =	simm.s32 @!p2 $0x0  }
0x1d: {  	s5 =	simm.s32 @p1 $0x1;
	p0 =	seq.s32 s7, s2  }
0x1e: {  	s7 =	smul.u32 @!p0 $0xF7A, s2;
	p2 =	seq.s32 @!p0 s5, $0x0  }
0x1f: {  	s9 =	smul.u32 $0xF7A, s1;
	s8 =	simm.s32 @!p0 $0x1BF5;
	p2 =	por !p2, p0  }
0x20: {  	[sflag:s8] =	ssyncset.s32 @!p0 $0xFFFFF086;
	s6 =	sadd.s32 @!p0 s3, s7;
	s7 =	simm.s32 @!p0 $0x108  }
0x21: {  	s3 =	sadd.s32 s3, s9;
	s6 =	sadd.s32 @!p0 $0x88, s6;
	s7 =	simm.s32 @p2 $0x1082  }
0x22: {  	[simem:s7], [sflag:s8] =	dma.local @!p0 [hbm:s6], $0xF7A  }
0x23: {  	s9 =	sor.u32 $0xD0000000, s2;
	s6 =	simm.s32 $0x108;
	_ =	swait.ge @!p0 [sflag:s8], $0x0  }
0x24: {  	s3 =	sadd.s32 $0x88, s3;
	s6 =	simm.s32 @!p1 $0x1082;
	[sflag:s4] =	ssyncset.s32 $0xFFFFF086  }
0x25: {  	[simem:s6], [sflag:s4] =	dma.local [hbm:s3], $0xF7A  }
0x26: {  	[smem:$0x3F9F] =	sst s1;
	(tag) =	ssettag s2;
	_ =	strace s9  }
0x27: {  	s1 =	sld [smem:$0x3FAF]  }
0x28: {  	s2 =	sld [smem:$0x3FB0]  }
0x29: {  	s4 =	sld [smem:$0x3FB2]  }
0x2a: {  	p0 =	seq.s32 s5, $0x0;
	s5 =	sld [smem:$0x3FB3]  }
0x2b: {  	s6 =	sld [smem:$0x3FB4]  }
0x2c: {  	s7 =	sld [smem:$0x3FB5]  }
0x2d: {  	s3 =	simm.s32 $0x108;
	s8 =	sld [smem:$0x3FB6]  }
0x2e: {  	s3 =	simm.s32 @!p0 $0x1082;
	s9 =	sld [smem:$0x3FB7]  }
0x2f: {  	lr =	sadd.s32 s0, s3;
	s0 =	sld [smem:$0x3FAE]  }
0x30: {  	s3 =	sld [smem:$0x3FB1]  }
0x31: {  	[smem:$0x3FBA] =	sst s10  }
0x32: {  	s10 =	sld [smem:$0x3FB8];
	_ =	sdelay $0x3  }
0x33: {  	p0 =	seq.s32 s10, $0x1;
	s10 =	sld [smem:$0x3FBA];
	_ =	sdelay $0x3  }
0x34: {  	[smem:$0x3FBA] =	sst s10  }
0x35: {  	s10 =	sld [smem:$0x3FB9];
	_ =	sdelay $0x3  }
0x36: {  	p1 =	seq.s32 s10, $0x1;
	s10 =	sld [smem:$0x3FBA];
	_ =	sdelay $0x3  }
0x37: {  	[smem:$0x3FBA] =	sst s10  }
0x38: {  	s10 =	sld [smem:$0x3FBB]  }
0x39: {  	_ = 	snop;
	(pc) =	sbr.ind lr, $3  }
0x3a: {  	_ = 	snop  }
0x3b: {  	_ = 	snop  }
0x3c: {  	p2 =	seq.s32 s10, $0x1;
	s10 =	sld [smem:$0x3FBA]  }
0x3d: {  	_ =	shalt  }
0x3e: {  	_ =	shalt  }
0x3f: {  	_ =	shalt  }
0x40: {  	_ =	shalt  }
0x41: {  	_ =	shalt  }
0x42: {  	_ =	shalt  }
0x43: {  	_ =	shalt  }
0x44: {  	_ =	shalt  }
0x45: {  	_ =	shalt  }
0x46: {  	_ =	shalt  }
0x47: {  	_ =	shalt  }
0x48: {  	_ =	shalt  }
0x49: {  	_ =	shalt  }
0x4a: {  	_ =	shalt  }
0x4b: {  	_ =	shalt  }
0x4c: {  	_ =	shalt  }
0x4d: {  	_ =	shalt  }
0x4e: {  	_ =	shalt  }
0x4f: {  	_ =	shalt  }
0x50: {  	_ =	shalt  }
0x51: {  	_ =	shalt  }
0x52: {  	_ =	shalt  }
0x53: {  	_ =	shalt  }
0x54: {  	_ =	shalt  }
0x55: {  	_ =	shalt  }
0x56: {  	_ =	shalt  }
0x57: {  	_ =	shalt  }
0x58: {  	_ =	shalt  }
0x59: {  	_ =	shalt  }
0x5a: {  	_ =	shalt  }
0x5b: {  	_ =	shalt  }
0x5c: {  	_ =	shalt  }
0x5d: {  	_ =	shalt  }
0x5e: {  	_ =	shalt  }
0x5f: {  	_ =	shalt  }
0x60: {  	_ =	shalt  }
0x61: {  	_ =	shalt  }
0x62: {  	_ =	shalt  }
0x63: {  	_ =	shalt  }
0x64: {  	_ =	shalt  }
0x65: {  	_ =	shalt  }
0x66: {  	_ =	shalt  }
0x67: {  	_ =	shalt  }
0x68: {  	_ =	shalt  }
0x69: {  	_ =	shalt  }
0x6a: {  	_ =	shalt  }
0x6b: {  	_ =	shalt  }
0x6c: {  	_ =	shalt  }
0x6d: {  	_ =	shalt  }
0x6e: {  	_ =	shalt  }
0x6f: {  	_ =	shalt  }
0x70: {  	_ =	shalt  }
0x71: {  	_ =	shalt  }
0x72: {  	_ =	shalt  }
0x73: {  	_ =	shalt  }
0x74: {  	_ =	shalt  }
0x75: {  	_ =	shalt  }
0x76: {  	_ =	shalt  }
0x77: {  	_ =	shalt  }
0x78: {  	_ =	shalt  }
0x79: {  	_ =	shalt  }
0x7a: {  	_ =	shalt  }
0x7b: {  	_ =	shalt  }
0x7c: {  	_ =	shalt  }
0x7d: {  	_ =	shalt  }
0x7e: {  	_ =	shalt  }
0x7f: {  	_ =	shalt  }
0x80: {  	_ =	shalt  }
0x81: {  	_ =	shalt  }
0x82: {  	_ =	shalt  }
0x83: {  	_ =	shalt  }
0x84: {  	_ =	shalt  }
0x85: {  	_ =	shalt  }
0x86: {  	_ =	shalt  }
0x87: {  	_ =	shalt  }
.Lfunc_end0:
.L_simem_size_0:
called_computation_lowered:
.L_overlay_start_0:
0x88: {  	s2 =	sld [smem:$0x3FD9]  }
0x89: {  	s3 =	sld [smem:$0x3FFE];
	_ =	sdelay $0x1  }
0x8a: {  	s1 =	srdreg.scid  }
0x8b: {  	s0 =	sand.u32 $0x1, s1  }
0x8c: {  	s17 =	sshll.u32 s0, $0xA;
	s2 =	sadd.s32 s3, s2  }
0x8d: {  	s2 =	sadd.s32 s2, s17  }
0x8e: {  	[smem:$0x3FC6] =	sst s2  }
0x8f: {  	_ = 	snop  }
0x90: {  	s2 =	sld [smem:$0x3FC9]  }
0x91: {  	s18 =	sld [smem:$0x3FC8];
	(tm) =	ssettm $0x1  }
0x92: {  	s4 =	sld [smem:$0x3FFB];
	_ =	sdelay $0x3  }
0x93: {  	_ =	strace s4  }
0x94: {  	s4 =	sld [smem:$0x3FFC];
	_ =	sdelay $0x3  }
0x95: {  	_ =	strace s4  }
0x96: {  	s4 =	sld [smem:$0x3FFD];
	_ =	sdelay $0x3  }
0x97: {  	_ =	strace s4  }
0x98: {  	_ =	strace $0x8FFFFFFF  }
0x99: {  	s19 =	sld [smem:$0x3FDB];
	_ =	sdelay $0x1  }
0x9a: {  	s5 =	simm.s32 $_scs_section_size  }
0x9b: {  	s6 =	simm.s32 $_size__tile_overlayer_lowered;
	s7 =	simm.s32 $_tile_overlayer_lowered  }
0x9c: {  	s22 =	simm.s32 $0x1BFF;
	s21 =	sshll.u32 s7, $0x1;
	s4 =	sadd.s32 s5, s19  }
0x9d: {  	s8 =	simm.s32 $0x0;
	s20 =	sshll.u32 s6, $0x1;
	s6 =	sadd.s32 s21, s4  }
0x9e: {  	[timem:s8], [sflag:s22] =	dma.local [hbm:s6], s20  }
0x9f: {  	_ =	swait.ge [sflag:s22], s20  }
0xa0: {  	s5 =	ssub.s32 $0x0, s20;
	[sflag:s22] =	ssyncset.done $0x0  }
0xa1: {  	[sflag:s22] =	ssyncadd.s32 s5;
	_ =	sdelay $0x1  }
0xa2: {  	s23 =	simm.s32 $0x1B8B  }
0xa3: {  	_ =	swait.ge [sflag:s23], $0x1  }
0xa4: {  	[sflag:s23] =	ssyncset.done $0x0  }
0xa5: {  	s25 =	simm.s32 $0x1B8E;
	s24 =	sld [smem:$0x3FFE];
	[sflag:s23] =	ssyncadd.s32 $0xFFFFFFFF  }
0xa6: {  	s26 =	simm.s32 $execute0_lowered;
	[smem:$0x3FD2] =	sst s25  }
0xa7: {  	s6 =	sshll.u32 s26, $0x1;
	_ =	strace $0x80000046;
	[dreg:$0x1] =	wrdreg $0xFFFFFFFF  }
0xa8: {  	s28 =	simm.s32 $_size_execute0_lowered;
	s4 =	sadd.s32 s4, s6;
	[dreg:$0x0] =	wrdreg $0x0  }
0xa9: {  	s6 =	sshll.u32 s28, $0x1;
	[dreg:$0x2] =	wrdreg s4  }
0xaa: {  	[dreg:$0x3] =	wrdreg s6  }
0xab: {  	[dreg:$0x4] =	wrdreg $0xC0  }
0xac: {  	_ =	task [dreg:s8], $0x5FFFF  }
0xad: {  	[dreg:$0x1] =	wrdreg $0xFFFFFFFF  }
0xae: {  	[dreg:$0x0] =	wrdreg $0x60  }
0xaf: {  	[dreg:$0x2] =	wrdreg s2  }
0xb0: {  	[dreg:$0x3] =	wrdreg s18  }
0xb1: {  	[dreg:$0x4] =	wrdreg s24  }
0xb2: {  	[dreg:$0x5] =	wrdreg $0x9  }
0xb3: {  	_ =	task.clear_ibuf [dreg:s8], $0x6FFFF;
	_ =	strace $0x90000046  }
0xb4: {  	s29 =	simm.s32 $0x9;
	_ =	strace $0x80000048  }
0xb5: {  	_ =	swait.ge [sflag:s29], $0x1  }
0xb6: {  	[sflag:s29] =	ssyncadd.s32 $0xFFFFFFFF  }
0xb7: {  	_ =	strace $0x90000048  }
0xb8: {  	_ =	sfence  }
0xb9: {  	s30 =	sld [smem:$0x0];
	_ =	sdelay $0x2  }
0xba: {  	s31 =	sshll.u32 s1, $0xD;
	s1 =	sshrl.u32 s1, $0x2  }
0xbb: {  	s3 =	sand.u32 $0x4000, s31;
	s1 =	sadd.s32 s1, s30  }
0xbc: {  	s0 =	sor.u32 s3, s0;
	s1 =	sshll.u32 s1, $0x11  }
0xbd: {  	s0 =	sor.u32 s1, s0  }
0xbe: {  	s0 =	sadd.s32 $0x8F2B, s0  }
0xbf: {  	[sflag:s0] =	ssyncadd.remote.s32 $0x1  }
0xc0: {  	_ =	sfence.sel $0xFFFF  }
0xc1: {  	[dreg:$0x0] =	wrdreg $0xFFFFFFFF;
	(pc) =	sbr.abs _section_cstart, $3  }
0xc2: {  	[dreg:$0x1] =	wrdreg $0xFFFFFFFF  }
0xc3: {  	_ =	task.clear_ibuf [dreg:s8], $0x2FFFF;
	_ =	strace $0x9FFFFFFF  }
0xc4: {  	(tm) =	ssettm $0x7FFFFFFF  }
0xc5: {  	_ =	shalt  }
tec
execute0_lowered:
.L_overlay_start_1:
0x0: {  	(tag) =	ssettag $0x1  }
0x1: {  	s1 =	rddreg [dreg:$0x0]  }
0x2: {  	s3 =	rddreg [dreg:$0x1];
	s0 =	srdreg.scid  }
0x3: {  	s10 =	stileid.u32;
	s2 =	rddreg [dreg:$0x2]  }
0x4: {  	s8 =	simm.s32 $0x1;
	s17 =	simm.s32 $0x3;
	s18 =	simm.s32 $0x80  }
0x5: {  	s22 =	simm.s32 $0x880;
	s23 =	simm.s32 $0x1080;
	s28 =	simm.s32 $0x2880  }
0x6: {  	s29 =	simm.s32 $0x3080;
	s30 =	simm.s32 $0x5880;
	s31 =	simm.s32 $0x6080  }
0x7: {  	s16 =	simm.s32 $0x7880;
	s19 =	simm.s32 $0x0;
	s0 =	sand.u32 $0x1, s0  }
0x8: {  	s4 =	sshll.u32 s10, $0x1;
	s5 =	sadd.s32 $0x242600, s2;
	s6 =	sadd.s32 $0x243200, s2  }
0x9: {  	s7 =	sadd.s32 $0x3AB200, s2;
	s11 =	sadd.s32 $0x100, s1;
	s9 =	sor.u32 s0, s4  }
0xa: {  	s12 =	sadd.s32 $0x100, s3;
	p1 =	seq.s32 s0, $0x1;
	p0 =	seq.s32 s9, $0x0  }
0xb: {  	s4 =	simm.s32 $0x0;
	s0 =	ssub.s32 $0x2, s0;
	p0 =	por !p0, !p1  }
0xc: {  	[smem:$0x7FF] =	sst s4;
	s25 =	sshrl.u32 s0, $0x1;
	p0 =	por !p0, !p0  }
0xd: {  	_ =	strace $0x80000047;
	s0 =	ssub.s32 s0, s25;
	s8 =	simm.s32 @!p0 $0x0  }
0xe: {  	s25 =	simm.s32 $0x2080;
	s0 =	smax.u32 s0, $0x1;
	s24 =	ssub.s32 s10, s8  }
0xf: {  	[dreg:$0x6] =	wrdreg s0;
	s0 =	simm.s32 $0x7080;
	s13 =	smul.u32 $0xB4000, s24  }
.Ltmp0:
0x10: {  	s8 =	simm.s32 $0x1;
	s10 =	sshll.u32 s24, $0x1;
	(pc) =	sbr.rel .LBB2_1-.Ltmp0, $4  }
0x11: {  	s9 =	ssub.s32 s9, s10;
	s10 =	smul.u32 $0x5A0, s24;
	s26 =	sshrl.u32 s13, $0x3  }
0x12: {  	v2 =	vlaneseq.u32;
	s24 =	simm.s32 $0x1880;
	s15 =	sadd.s32 $0xB0000, s13;
	s14 =	sadd.s32 s6, s26  }
0x13: {  	vm0 =	vmmov $0xffff;
	v1 =	vshrl.u32 v2, $0x3;
	s13 =	simm.s32 $0x2;
	s2 =	sadd.s32 s7, s26;
	[dreg:$0x4] =	wrdreg s14  }
0x14: {  	v0 =	vand.u32 $0x7, v2;
	v2 =	vor.u32 $0x8, v2;
	v1 =	vmul.u32 $0x8, v1;
	s26 =	simm.s32 $0x4080;
	[dreg:$0x5] =	wrdreg s2;
	s2 =	simm.s32 $0x6880  }
.LBB2_9:
0x15: {  	s19 =	rddreg [dreg:$0x7]  }
0x16: {  	s14 =	rddreg [dreg:$0x6];
	s19 =	sadd.s32 $0x1, s19  }
0x17: {  	p0 =	sne.s32 s19, s14  }
.Ltmp1:
0x18: {  	_ = 	snop;
	(pc) =	sbr.rel @!p0 .LBB2_10-.Ltmp1, $1  }
0x19: {  	_ =	sdelay $0x3  }
.LBB2_1:
.Ltmp2:
0x1a: {  	(pc) =	sbr.rel .LBB2_2-.Ltmp2, $2  }
0x1b: {  	_ =	sdelay $0x2  }
0x1c: {  	[dreg:$0x7] =	wrdreg s19;
	s14 =	simm.s32 $0x0  }
.LBB2_4:
0x1d: {  	s19 =	sshll.u32 s19, $0xB;
	s20 =	rddreg [dreg:$0x4]  }
0x1e: {  	s20 =	sadd.s32 s19, s20  }
0x1f: {  	[hbm4b:s20+s4] =	stream.linear.scatter [tilespmem:s18], [sflag:$0x3], $0x4000, $0x38;
	[tilespmem:$0x8080] =	vst v63  }
0x20: {  	_ =	swait.ge [sflag:s17], $0x4000  }
0x21: {  	[sflag:s17] =	ssyncset.done $0x0;
	s21 =	rddreg [dreg:$0x5]  }
0x22: {  	[sflag:s17] =	ssyncadd.s32 $0xFFFFC000;
	s19 =	sadd.s32 s19, s21  }
0x23: {  	[hbm4b:s19+s4] =	stream.linear.scatter [tilespmem:s26], [sflag:$0x3], $0x4000, $0x38;
	[tilespmem:$0x8080] =	vst v63  }
0x24: {  	_ =	swait.ge [sflag:s17], $0x4000  }
0x25: {  	[sflag:s17] =	ssyncset.done $0x0  }
0x26: {  	[sflag:s17] =	ssyncadd.s32 $0xFFFFC000  }
.LBB2_8:
0x27: {  	s14 =	sadd.s32 $0x1, s14  }
0x28: {  	p0 =	sne.s32 s14, $0x17  }
.Ltmp3:
0x29: {  	_ = 	snop;
	(pc) =	sbr.rel @!p0 .LBB2_9-.Ltmp3, $1  }
0x2a: {  	_ =	sdelay $0x3  }
.LBB2_2:
0x2b: {  	s19 =	sshll.u32 s14, $0x1  }
0x2c: {  	s19 =	sadd.s32 s9, s19  }
0x2d: {  	p0 =	sgt.u32 s19, $0x2C  }
.Ltmp4:
0x2e: {  	_ = 	snop;
	(pc) =	sbr.rel @p0 .LBB2_8-.Ltmp4, $1  }
0x2f: {  	_ =	sdelay $0x3  }
0x30: {  	s20 =	sshll.u32 s19, $0x5  }
0x31: {  	s20 =	sadd.s32 s10, s20  }
0x32: {  	s20 =	sshrl.u32 s20, $0x3  }
0x33: {  	s21 =	sadd.s32 s5, s20;
	s20 =	simm.s32 $0x0  }
0x34: {  	[tilespmem:s20], [sflag:$0x3] =	stream.linear.gather [hbm4b:s21+s20], $0x20, $0x38;
	[tilespmem:$0x8080] =	vst v63  }
0x35: {  	_ =	swait.ge [sflag:s17], $0x20  }
0x36: {  	[sflag:s17] =	ssyncset.done $0x0  }
0x37: {  	[sflag:s17] =	ssyncadd.s32 $0xFFFFFFE0  }
0x38: {  	v3 =	vld [tilespmem:$0x0];
	_ =	sdelay $0x4  }
0x39: {  	v4 =	vshll.u32 v3, $0x2  }
0x3a: {  	v3 =	vand.u32 $0x7, v3;
	v4 =	vand.u32 $0xFFFFFFE0, v4  }
0x3b: {  	v3 =	vor.u32 v3, v4  }
0x3c: {  	v4 =	vperm.xlane v3, v0;
	_ =	sdelay $0x1  }
0x3d: {  	v4 =	vadd.s32 v1, v4;
	_ =	sdelay $0x1  }
0x3e: {  	v3 =	vperm.xlane v3, v2;
	_ =	sdelay $0x1  }
0x3f: {  	v3 =	vadd.s32 v1, v3  }
0x40: {  	[tilespmem:s18], [sflag:$0x1] =	stream.indirect_vreg.gather [hbm4b:s1+s20], $0x80, v4, vm0, $0xb8;
	[tilespmem:$0x8080] =	vst v63  }
0x41: {  	_ = 	snop  }
0x42: {  	[tilespmem:s22], [sflag:$0x1] =	stream.indirect_vreg.gather [hbm4b:s11+s20], $0x80, v4, vm0, $0xb8;
	[tilespmem:$0x8080] =	vst v63  }
0x43: {  	_ = 	snop  }
0x44: {  	[tilespmem:s23], [sflag:$0x1] =	stream.indirect_vreg.gather [hbm4b:s1+s20], $0x80, v3, vm0, $0xb8;
	[tilespmem:$0x8080] =	vst v63  }
0x45: {  	_ = 	snop  }
0x46: {  	[tilespmem:s24], [sflag:$0x1] =	stream.indirect_vreg.gather [hbm4b:s11+s20], $0x80, v3, vm0, $0xb8;
	[tilespmem:$0x8080] =	vst v63  }
0x47: {  	v3 =	vld [tilespmem:$0x10];
	_ =	sdelay $0x4  }
0x48: {  	v61 =	vshll.u32 v3, $0x2  }
0x49: {  	v3 =	vand.u32 $0x7, v3;
	v4 =	vand.u32 $0xFFFFFFE0, v61  }
0x4a: {  	v3 =	vor.u32 v3, v4  }
0x4b: {  	v4 =	vperm.xlane v3, v0;
	_ =	sdelay $0x1  }
0x4c: {  	v4 =	vadd.s32 v1, v4;
	_ =	sdelay $0x1  }
0x4d: {  	v3 =	vperm.xlane v3, v2;
	_ =	sdelay $0x1  }
0x4e: {  	v3 =	vadd.s32 v1, v3  }
0x4f: {  	[tilespmem:s25], [sflag:$0x1] =	stream.indirect_vreg.gather [hbm4b:s1+s20], $0x80, v4, vm0, $0xb8;
	[tilespmem:$0x8080] =	vst v63  }
0x50: {  	_ = 	snop  }
0x51: {  	[tilespmem:s28], [sflag:$0x1] =	stream.indirect_vreg.gather [hbm4b:s11+s20], $0x80, v4, vm0, $0xb8;
	[tilespmem:$0x8080] =	vst v63  }
0x52: {  	_ = 	snop  }
0x53: {  	[tilespmem:s29], [sflag:$0x1] =	stream.indirect_vreg.gather [hbm4b:s1+s20], $0x80, v3, vm0, $0xb8;
	[tilespmem:$0x8080] =	vst v63  }
0x54: {  	s21 =	simm.s32 $0x3880  }
0x55: {  	[tilespmem:s21], [sflag:$0x1] =	stream.indirect_vreg.gather [hbm4b:s11+s20], $0x80, v3, vm0, $0xb8;
	[tilespmem:$0x8080] =	vst v63  }
0x56: {  	v3 =	vld [tilespmem:$0x0];
	_ =	sdelay $0x4  }
0x57: {  	v62 =	vshll.u32 v3, $0x2  }
0x58: {  	v3 =	vand.u32 $0x7, v3;
	v4 =	vand.u32 $0xFFFFFFE0, v62  }
0x59: {  	v3 =	vor.u32 v3, v4  }
0x5a: {  	v4 =	vperm.xlane v3, v0;
	_ =	sdelay $0x1  }
0x5b: {  	v4 =	vadd.s32 v1, v4;
	_ =	sdelay $0x1  }
0x5c: {  	v3 =	vperm.xlane v3, v2;
	_ =	sdelay $0x1  }
0x5d: {  	v3 =	vadd.s32 v1, v3  }
0x5e: {  	[tilespmem:s26], [sflag:$0x2] =	stream.indirect_vreg.gather [hbm4b:s3+s20], $0x80, v4, vm0, $0xb8;
	[tilespmem:$0x8080] =	vst v63  }
0x5f: {  	s21 =	simm.s32 $0x4880  }
0x60: {  	[tilespmem:s21], [sflag:$0x2] =	stream.indirect_vreg.gather [hbm4b:s12+s20], $0x80, v4, vm0, $0xb8;
	[tilespmem:$0x8080] =	vst v63  }
0x61: {  	s21 =	simm.s32 $0x5080  }
0x62: {  	[tilespmem:s21], [sflag:$0x2] =	stream.indirect_vreg.gather [hbm4b:s3+s20], $0x80, v3, vm0, $0xb8;
	[tilespmem:$0x8080] =	vst v63  }
0x63: {  	_ = 	snop  }
0x64: {  	[tilespmem:s30], [sflag:$0x2] =	stream.indirect_vreg.gather [hbm4b:s12+s20], $0x80, v3, vm0, $0xb8;
	[tilespmem:$0x8080] =	vst v63  }
0x65: {  	v3 =	vld [tilespmem:$0x10];
	_ =	sdelay $0x4  }
0x66: {  	v63 =	vshll.u32 v3, $0x2  }
0x67: {  	v3 =	vand.u32 $0x7, v3;
	v4 =	vand.u32 $0xFFFFFFE0, v63  }
0x68: {  	v3 =	vor.u32 v3, v4  }
0x69: {  	v4 =	vperm.xlane v3, v0;
	_ =	sdelay $0x1  }
0x6a: {  	v4 =	vadd.s32 v1, v4;
	_ =	sdelay $0x1  }
0x6b: {  	v3 =	vperm.xlane v3, v2;
	_ =	sdelay $0x1  }
0x6c: {  	v3 =	vadd.s32 v1, v3  }
0x6d: {  	[tilespmem:s31], [sflag:$0x2] =	stream.indirect_vreg.gather [hbm4b:s3+s20], $0x80, v4, vm0, $0xb8;
	[tilespmem:$0x8080] =	vst v63  }
0x6e: {  	_ = 	snop  }
0x6f: {  	[tilespmem:s2], [sflag:$0x2] =	stream.indirect_vreg.gather [hbm4b:s12+s20], $0x80, v4, vm0, $0xb8;
	[tilespmem:$0x8080] =	vst v63  }
0x70: {  	_ = 	snop  }
0x71: {  	[tilespmem:s0], [sflag:$0x2] =	stream.indirect_vreg.gather [hbm4b:s3+s20], $0x80, v3, vm0, $0xb8;
	[tilespmem:$0x8080] =	vst v63  }
0x72: {  	_ = 	snop  }
0x73: {  	[tilespmem:s16], [sflag:$0x2] =	stream.indirect_vreg.gather [hbm4b:s12+s20], $0x80, v3, vm0, $0xb8;
	[tilespmem:$0x8080] =	vst v63  }
0x74: {  	p0 =	seq.s32 s19, $0x2C;
	_ =	swait.ge [sflag:s8], $0x4000  }
.Ltmp5:
0x75: {  	[sflag:s8] =	ssyncset.done $0x0;
	(pc) =	sbr.rel @!p0 .LBB2_4-.Ltmp5, $4  }
0x76: {  	[sflag:s8] =	ssyncadd.s32 $0xFFFFC000  }
0x77: {  	_ =	swait.ge [sflag:s13], $0x4000  }
0x78: {  	[sflag:s13] =	ssyncset.done $0x0  }
0x79: {  	[sflag:s13] =	ssyncadd.s32 $0xFFFFC000  }
0x7a: {  	s19 =	sand.u32 $0x3000, s20;
	s24 =	sand.u32 $0x380, s20  }
0x7b: {  	s19 =	sor.u32 s24, s19  }
0x7c: {  	s20 =	sor.u32 s15, s19  }
0x7d: {  	s20 =	sshrl.u32 s20, $0x3  }
0x7e: {  	s22 =	sadd.s32 $0x80, s19;
	s21 =	sadd.s32 s6, s20  }
0x7f: {  	[hbm4b:s21+s4] =	stream.linear.scatter [tilespmem:s22], [sflag:$0x3], $0x80, $0x38;
	[tilespmem:$0x8080] =	vst v63  }
0x80: {  	s25 =	sadd.s32 $0x480, s19;
	s23 =	sadd.s32 $0x80, s21  }
0x81: {  	[hbm4b:s23+s4] =	stream.linear.scatter [tilespmem:s25], [sflag:$0x3], $0x80, $0x38;
	[tilespmem:$0x8080] =	vst v63  }
0x82: {  	s29 =	sadd.s32 $0x880, s19;
	s28 =	sadd.s32 $0x100, s21  }
0x83: {  	[hbm4b:s28+s4] =	stream.linear.scatter [tilespmem:s29], [sflag:$0x3], $0x80, $0x38;
	[tilespmem:$0x8080] =	vst v63  }
0x84: {  	s21 =	sadd.s32 $0x180, s21;
	s23 =	sadd.s32 $0xC80, s19  }
0x85: {  	[hbm4b:s21+s4] =	stream.linear.scatter [tilespmem:s23], [sflag:$0x3], $0x80, $0x38;
	[tilespmem:$0x8080] =	vst v63  }
0x86: {  	_ =	swait.ge [sflag:s17], $0x200  }
0x87: {  	s24 =	sadd.s32 $0x4080, s19;
	[sflag:s17] =	ssyncset.done $0x0  }
0x88: {  	s20 =	sadd.s32 s7, s20;
	s25 =	sadd.s32 $0x4480, s19;
	[sflag:s17] =	ssyncadd.s32 $0xFFFFFE00  }
0x89: {  	[hbm4b:s20+s4] =	stream.linear.scatter [tilespmem:s24], [sflag:$0x3], $0x80, $0x38;
	[tilespmem:$0x8080] =	vst v63  }
0x8a: {  	s28 =	sadd.s32 $0x80, s20;
	s29 =	simm.s32 $0x200;
	s23 =	sadd.s32 $0x4880, s19  }
0x8b: {  	[hbm4b:s28+s4] =	stream.linear.scatter [tilespmem:s25], [sflag:$0x3], $0x80, $0x38;
	[tilespmem:$0x8080] =	vst v63  }
0x8c: {  	s24 =	sadd.s32 $0x100, s20;
	s25 =	sadd.s32 $0x180, s20;
	s20 =	simm.s32 $0x80  }
0x8d: {  	[hbm4b:s24+s4] =	stream.linear.scatter [tilespmem:s23], [sflag:$0x3], $0x80, $0x38;
	[tilespmem:$0x8080] =	vst v63  }
0x8e: {  	s19 =	sadd.s32 $0x4C80, s19;
	s28 =	sand.u32 $0x3000, s29;
	s29 =	sand.u32 $0x380, s20  }
0x8f: {  	[hbm4b:s25+s4] =	stream.linear.scatter [tilespmem:s19], [sflag:$0x3], $0x80, $0x38;
	[tilespmem:$0x8080] =	vst v63  }
0x90: {  	s21 =	simm.s32 $0x400;
	s19 =	sor.u32 s29, s28  }
.LBB2_6:
0x91: {  	s22 =	sor.u32 s15, s19  }
0x92: {  	_ =	swait.ge [sflag:s17], $0x200;
	s23 =	smov.u32 s21;
	s24 =	sadd.s32 $0x200, s21  }
0x93: {  	s25 =	sadd.s32 $0x480, s19;
	s22 =	sshrl.u32 s22, $0x3;
	[sflag:s17] =	ssyncset.done $0x0  }
0x94: {  	s29 =	sadd.s32 $0x80, s19;
	s28 =	sadd.s32 s6, s22;
	[sflag:s17] =	ssyncadd.s32 $0xFFFFFE00  }
0x95: {  	[hbm4b:s28+s4] =	stream.linear.scatter [tilespmem:s29], [sflag:$0x3], $0x80, $0x38;
	[tilespmem:$0x8080] =	vst v63  }
0x96: {  	p0 =	sne.s32 s21, $0x3200;
	s21 =	sadd.s32 $0x80, s28;
	s29 =	sadd.s32 $0x100, s28  }
0x97: {  	[hbm4b:s21+s4] =	stream.linear.scatter [tilespmem:s25], [sflag:$0x3], $0x80, $0x38;
	[tilespmem:$0x8080] =	vst v63  }
0x98: {  	s21 =	sadd.s32 $0x880, s19;
	s25 =	sadd.s32 $0x180, s28  }
0x99: {  	[hbm4b:s29+s4] =	stream.linear.scatter [tilespmem:s21], [sflag:$0x3], $0x80, $0x38;
	[tilespmem:$0x8080] =	vst v63  }
0x9a: {  	s21 =	sadd.s32 $0xC80, s19  }
0x9b: {  	[hbm4b:s25+s4] =	stream.linear.scatter [tilespmem:s21], [sflag:$0x3], $0x80, $0x38;
	[tilespmem:$0x8080] =	vst v63  }
0x9c: {  	_ =	swait.ge [sflag:s17], $0x200  }
0x9d: {  	s21 =	sadd.s32 s7, s22;
	s22 =	sadd.s32 $0x4080, s19;
	[sflag:s17] =	ssyncset.done $0x0  }
0x9e: {  	s25 =	sadd.s32 $0x4480, s19;
	s28 =	sadd.s32 $0x80, s21;
	[sflag:s17] =	ssyncadd.s32 $0xFFFFFE00  }
0x9f: {  	[hbm4b:s21+s4] =	stream.linear.scatter [tilespmem:s22], [sflag:$0x3], $0x80, $0x38;
	[tilespmem:$0x8080] =	vst v63  }
0xa0: {  	s29 =	sadd.s32 $0x100, s21;
	s22 =	sadd.s32 $0x4880, s19  }
0xa1: {  	[hbm4b:s28+s4] =	stream.linear.scatter [tilespmem:s25], [sflag:$0x3], $0x80, $0x38;
	[tilespmem:$0x8080] =	vst v63  }
0xa2: {  	s20 =	sadd.s32 $0x80, s20;
	s21 =	sadd.s32 $0x180, s21  }
0xa3: {  	[hbm4b:s29+s4] =	stream.linear.scatter [tilespmem:s22], [sflag:$0x3], $0x80, $0x38;
	[tilespmem:$0x8080] =	vst v63  }
.Ltmp6:
0xa4: {  	_ = 	snop;
	(pc) =	sbr.rel @p0 .LBB2_6-.Ltmp6, $4  }
0xa5: {  	s25 =	sadd.s32 $0x4C80, s19;
	s22 =	sand.u32 $0x3000, s23;
	s23 =	sand.u32 $0x380, s20  }
0xa6: {  	s19 =	sor.u32 s23, s22  }
0xa7: {  	[hbm4b:s21+s4] =	stream.linear.scatter [tilespmem:s25], [sflag:$0x3], $0x80, $0x38;
	[tilespmem:$0x8080] =	vst v63  }
0xa8: {  	s21 =	smov.u32 s24  }
0xa9: {  	s20 =	sor.u32 s15, s19;
	_ =	swait.ge [sflag:s17], $0x200  }
0xaa: {  	s20 =	sshrl.u32 s20, $0x3;
	[sflag:s17] =	ssyncset.done $0x0  }
0xab: {  	s22 =	sadd.s32 $0x80, s19;
	s21 =	sadd.s32 s6, s20;
	[sflag:s17] =	ssyncadd.s32 $0xFFFFFE00  }
0xac: {  	[hbm4b:s21+s4] =	stream.linear.scatter [tilespmem:s22], [sflag:$0x3], $0x80, $0x38;
	[tilespmem:$0x8080] =	vst v63  }
0xad: {  	s25 =	sadd.s32 $0x480, s19;
	s23 =	sadd.s32 $0x80, s21  }
0xae: {  	[hbm4b:s23+s4] =	stream.linear.scatter [tilespmem:s25], [sflag:$0x3], $0x80, $0x38;
	[tilespmem:$0x8080] =	vst v63  }
0xaf: {  	s24 =	sadd.s32 $0x880, s19;
	s23 =	sadd.s32 $0x100, s21  }
0xb0: {  	[hbm4b:s23+s4] =	stream.linear.scatter [tilespmem:s24], [sflag:$0x3], $0x80, $0x38;
	[tilespmem:$0x8080] =	vst v63  }
0xb1: {  	s21 =	sadd.s32 $0x180, s21;
	s25 =	sadd.s32 $0xC80, s19  }
0xb2: {  	[hbm4b:s21+s4] =	stream.linear.scatter [tilespmem:s25], [sflag:$0x3], $0x80, $0x38;
	[tilespmem:$0x8080] =	vst v63  }
0xb3: {  	_ =	swait.ge [sflag:s17], $0x200  }
0xb4: {  	[sflag:s17] =	ssyncset.done $0x0  }
0xb5: {  	s20 =	sadd.s32 s7, s20;
	s23 =	sadd.s32 $0x4080, s19;
	[sflag:s17] =	ssyncadd.s32 $0xFFFFFE00  }
0xb6: {  	[hbm4b:s20+s4] =	stream.linear.scatter [tilespmem:s23], [sflag:$0x3], $0x80, $0x38;
	[tilespmem:$0x8080] =	vst v63  }
0xb7: {  	s24 =	sadd.s32 $0x4480, s19;
	s25 =	sadd.s32 $0x80, s20  }
0xb8: {  	[hbm4b:s25+s4] =	stream.linear.scatter [tilespmem:s24], [sflag:$0x3], $0x80, $0x38;
	[tilespmem:$0x8080] =	vst v63  }
0xb9: {  	s23 =	sadd.s32 $0x4880, s19;
	s24 =	sadd.s32 $0x100, s20  }
0xba: {  	[hbm4b:s24+s4] =	stream.linear.scatter [tilespmem:s23], [sflag:$0x3], $0x80, $0x38;
	[tilespmem:$0x8080] =	vst v63  }
.Ltmp7:
0xbb: {  	s20 =	sadd.s32 $0x180, s20;
	s25 =	sadd.s32 $0x4C80, s19;
	(pc) =	sbr.rel .LBB2_8-.Ltmp7, $4  }
0xbc: {  	[hbm4b:s20+s4] =	stream.linear.scatter [tilespmem:s25], [sflag:$0x3], $0x80, $0x38;
	[tilespmem:$0x8080] =	vst v63  }
0xbd: {  	s28 =	simm.s32 $0x2880;
	s29 =	simm.s32 $0x3080;
	_ =	swait.ge [sflag:s17], $0x200  }
0xbe: {  	s22 =	simm.s32 $0x880;
	s23 =	simm.s32 $0x1080;
	[sflag:s17] =	ssyncset.done $0x0  }
0xbf: {  	s24 =	simm.s32 $0x1880;
	s25 =	simm.s32 $0x2080;
	[sflag:s17] =	ssyncadd.s32 $0xFFFFFE00  }
.LBB2_10:
0xc0: {  	_ =	sfence.sel $0x180000  }
0xc1: {  	[bflag:$0x0] =	sbarrier.arrive $0xFFFF  }
0xc2: {  	_ =	strace $0x90000047  }
0xc3: {  	s0 =	stileid.u32;
	[bflag:$0x2] =	sbarrier.arrive $0xFFFF  }
0xc4: {  	p0 =	sne.s32 s0, $0x0;
	s0 =	rddreg [dreg:$0x3]  }
0xc5: {  	s0 =	sadd.s32 @!p0 $0x100000, s0  }
0xc6: {  	[sflag:s0] =	ssyncadd.tile.s32 @!p0 $0x1;
	_ =	shalt  }
.Lfunc_end2:
_tile_overlayer_lowered:
.L_overlay_start_2:
0xc7: {  	(tag) =	ssettag $0x2  }
0xc8: {  	s0 =	rddreg [dreg:$0x0];
	s2 =	stileid.u32  }
0xc9: {  	s1 =	rddreg [dreg:$0x1];
	p0 =	sne.s32 s2, $0x0  }
0xca: {  	s3 =	rddreg [dreg:$0x2];
	[bflag:$0x3] =	sbarrier.arrive $0xFFFF;
	s2 =	simm.s32 @!p0 $0x1C03  }
0xcb: {  	[timem:s3], [sflag:s2] =	dma.local @!p0 [hbm:s0], s1  }
0xcc: {  	s0 =	simm.s32 @!p0 $0x3  }
0xcd: {  	_ =	swait.ge @!p0 [sflag:s0], s1  }
0xce: {  	s1 =	ssub.s32 @!p0 $0x0, s1;
	[sflag:s0] =	ssyncset.done @!p0 $0x0  }
0xcf: {  	[sflag:s0] =	ssyncadd.s32 @!p0 s1  }
0xd0: {  	[bflag:$0x3] =	sbarrier.arrive $0xFFFF  }
0xd1: {  	_ =	shalt  }

</sc_bundles>
